<compile_context>
chip_gen: v7x
topology: tpu7x:2x2x1
jax: 0.10.2.dev20260603
libtpu: 0.0.44.dev20260713+nightly
codegen_flags: <defaults>
</compile_context>

<pallas_src>
import functools

import jax
import jax.numpy as jnp
from jax import lax
from jax.experimental import pallas as pl
from jax.experimental.pallas import tpu as pltpu
from jax.experimental.pallas import tpu_sc as plsc

NN = 10000
NP = 10240
PN = NN
E = 320000
NCLS = 40
H = 16
CPAD = 48
NC = 2
NS = 16
NT = NC * NS
CHUNK = 128
GPT = 79
EP = NT * GPT * CHUNK
DEGR = 80
NGRAPH = 250
NSLOT = 256
SLOT_SH = 18


def _mesh():
    return plsc.VectorSubcoreMesh(core_axis_name="c", subcore_axis_name="s")


def _make_edge_acc(width):
    rpt = NP // NS

    @functools.partial(
        pl.kernel,
        out_type=jax.ShapeDtypeStruct((NC, NP, width), jnp.float32),
        mesh=_mesh(),
        scratch_types=[
            pltpu.VMEM((GPT, CHUNK), jnp.int32),
            pltpu.VMEM((GPT, CHUNK), jnp.int32),
            pltpu.VMEM((CHUNK, width), jnp.float32),
            pltpu.VMEM((CHUNK, width), jnp.float32),
            pltpu.VMEM_SHARED((NP, width), jnp.float32),
            pltpu.SemaphoreType.DMA,
            pltpu.SemaphoreType.DMA,
        ],
        compiler_params=pltpu.CompilerParams(use_tc_tiling_on_sc=False),
    )
    def k(src_hbm, dst_hbm, feat_hbm, zrows_hbm, out_hbm,
          src_v, dst_v, rows_a, rows_b, acc_sh, sem_a, sem_b):
        cid = lax.axis_index("c")
        sid = lax.axis_index("s")
        wid = sid * NC + cid
        pltpu.sync_copy(zrows_hbm, acc_sh.at[pl.ds(sid * rpt, rpt)])
        pltpu.sync_copy(src_hbm.at[wid], src_v)
        pltpu.sync_copy(dst_hbm.at[wid], dst_v)
        plsc.subcore_barrier()
        pltpu.async_copy(feat_hbm.at[src_v.at[0]], rows_a, sem_a)

        def body(i, carry):
            ga = 2 * i
            pltpu.async_copy(feat_hbm.at[src_v.at[ga + 1]], rows_b, sem_b)
            pltpu.make_async_copy(feat_hbm.at[src_v.at[ga]], rows_a, sem_a).wait()
            pltpu.sync_copy(rows_a, acc_sh.at[dst_v.at[ga]], add=True)
            pltpu.async_copy(feat_hbm.at[src_v.at[ga + 2]], rows_a, sem_a)
            pltpu.make_async_copy(feat_hbm.at[src_v.at[ga + 1]], rows_b, sem_b).wait()
            pltpu.sync_copy(rows_b, acc_sh.at[dst_v.at[ga + 1]], add=True)
            return carry

        lax.fori_loop(0, (GPT - 1) // 2, body, 0)
        pltpu.make_async_copy(feat_hbm.at[src_v.at[GPT - 1]], rows_a, sem_a).wait()
        pltpu.sync_copy(rows_a, acc_sh.at[dst_v.at[GPT - 1]], add=True)
        plsc.subcore_barrier()
        pltpu.sync_copy(acc_sh.at[pl.ds(sid * rpt, rpt)],
                        out_hbm.at[cid].at[pl.ds(sid * rpt, rpt)])

    return k


def _make_center_acc():

    @functools.partial(
        pl.kernel,
        out_type=jax.ShapeDtypeStruct((NC, NSLOT, CPAD), jnp.float32),
        mesh=_mesh(),
        scratch_types=[
            pltpu.VMEM((16,), jnp.int32),
            pltpu.VMEM((CHUNK,), jnp.int32),
            pltpu.VMEM((CHUNK,), jnp.int32),
            pltpu.VMEM((CHUNK,), jnp.int32),
            pltpu.VMEM((CHUNK, CPAD), jnp.float32),
            pltpu.VMEM_SHARED((NSLOT, CPAD), jnp.float32),
            pltpu.SemaphoreType.DMA,
        ],
        compiler_params=pltpu.CompilerParams(
            use_tc_tiling_on_sc=False, needs_layout_passes=False),
    )
    def k(pk_hbm, cnt_hbm, feat_hbm, zrows_hbm, out_hbm,
          cnt_v, pkg_v, gidx_v, sidx_v, rows_v, acc_sh, sem):
        cid = lax.axis_index("c")
        sid = lax.axis_index("s")
        wid = sid * NC + cid
        pltpu.sync_copy(zrows_hbm.at[pl.ds(0, NSLOT // NS)],
                        acc_sh.at[pl.ds(sid * (NSLOT // NS), NSLOT // NS)])
        pltpu.sync_copy(cnt_hbm.at[wid], cnt_v)
        plsc.subcore_barrier()
        cnt = cnt_v[pl.ds(0, 16)][0]
        ngroups = lax.div(cnt + CHUNK - 1, CHUNK)

        def group(g, carry):
            pltpu.sync_copy(pk_hbm.at[wid].at[g], pkg_v)
            for j in range(CHUNK // 16):
                p = pkg_v[pl.ds(j * 16, 16)]
                gidx_v[pl.ds(j * 16, 16)] = jnp.bitwise_and(p, (1 << SLOT_SH) - 1)
                sidx_v[pl.ds(j * 16, 16)] = lax.shift_right_logical(p, SLOT_SH)
            pltpu.async_copy(feat_hbm.at[gidx_v], rows_v, sem).wait()
            pltpu.sync_copy(rows_v, acc_sh.at[sidx_v], add=True)
            return carry

        lax.fori_loop(0, ngroups, group, 0)
        plsc.subcore_barrier()
        pltpu.sync_copy(acc_sh.at[pl.ds(sid * (NSLOT // NS), NSLOT // NS)],
                        out_hbm.at[cid].at[pl.ds(sid * (NSLOT // NS), NSLOT // NS)])

    return k


def _make_deg_compact():
    rpt = NP // NS
    EPW = GPT * CHUNK
    PADW = PN | (NGRAPH << SLOT_SH)

    @functools.partial(
        pl.kernel,
        out_type=(jax.ShapeDtypeStruct((NC, NP), jnp.float32),
                  jax.ShapeDtypeStruct((NT, GPT + 1, CHUNK), jnp.int32),
                  jax.ShapeDtypeStruct((NT, 16), jnp.int32)),
        mesh=_mesh(),
        scratch_types=[
            pltpu.VMEM((EPW,), jnp.int32),
            pltpu.VMEM((EPW,), jnp.int32),
            pltpu.VMEM((NP,), jnp.int32),
            pltpu.VMEM((EPW + CHUNK,), jnp.int32),
            pltpu.VMEM((16,), jnp.int32),
            pltpu.VMEM((NP,), jnp.float32),
            pltpu.VMEM((rpt,), jnp.float32),
            pltpu.VMEM((rpt,), jnp.float32),
            pltpu.VMEM_SHARED((NS, NP), jnp.float32),
        ],
        compiler_params=pltpu.CompilerParams(
            use_tc_tiling_on_sc=False, needs_layout_passes=False),
    )
    def k(src_hbm, dst_hbm, slotmap_hbm, zdeg_hbm,
          deg_hbm, pk_hbm, cnt_hbm,
          src_v, dst_v, slot_v, pk_v, cnt_v, deg_l, acc_v, tmp_v, stage_sh):
        cid = lax.axis_index("c")
        sid = lax.axis_index("s")
        wid = sid * NC + cid
        pltpu.sync_copy(zdeg_hbm, deg_l)
        pltpu.sync_copy(src_hbm.at[wid], src_v)
        pltpu.sync_copy(dst_hbm.at[wid], dst_v)
        pltpu.sync_copy(slotmap_hbm, slot_v)
        ones = jnp.full((16,), 1.0, jnp.float32)

        def body(i, cnt):
            off = pl.multiple_of(i * 16, 16)
            dv = dst_v[pl.ds(off, 16)]
            sv = src_v[pl.ds(off, 16)]
            plsc.addupdate_scatter(deg_l, [dv], ones)
            slv = plsc.load_gather(slot_v, [dv])
            m = slv >= 0
            packed = sv | lax.shift_left(slv, SLOT_SH)
            plsc.store_compressed(pk_v.at[pl.ds(cnt, 16)], packed, mask=m)
            npop = plsc.all_reduce_population_count(m)
            return cnt + npop[0]

        cnt = lax.fori_loop(0, EPW // 16, body, 0)
        padvec = jnp.full((16,), PADW, jnp.int32)
        for kk in range(CHUNK // 16):
            pk_v[pl.ds(cnt + kk * 16, 16)] = padvec
        cnt_v[...] = lax.broadcast(cnt, (16,))
        pltpu.sync_copy(cnt_v, cnt_hbm.at[wid])
        ngroups = lax.div(cnt + CHUNK - 1, CHUNK)

        def wgroup(g, carry):
            pltpu.sync_copy(pk_v.at[pl.ds(g * CHUNK, CHUNK)],
                            pk_hbm.at[wid].at[g])
            return carry

        lax.fori_loop(0, ngroups, wgroup, 0)

        pltpu.sync_copy(deg_l, stage_sh.at[sid])
        plsc.subcore_barrier()
        pltpu.sync_copy(stage_sh.at[0].at[pl.ds(sid * rpt, rpt)], acc_v)

        def red(p, carry):
            pltpu.sync_copy(stage_sh.at[p].at[pl.ds(sid * rpt, rpt)], tmp_v)

            def add16(j, c):
                off = pl.multiple_of(j * 16, 16)
                acc_v[pl.ds(off, 16)] = acc_v[pl.ds(off, 16)] + tmp_v[pl.ds(off, 16)]
                return c

            lax.fori_loop(0, rpt // 16, add16, 0)
            return carry

        lax.fori_loop(1, NS, red, 0)
        pltpu.sync_copy(acc_v, deg_hbm.at[cid].at[pl.ds(sid * rpt, rpt)])

    return k


def _prep_body(x_ref, w_ref, d0_ref, d1_ref, dinv_ref, hs_ref):
    h1 = jnp.dot(x_ref[...], w_ref[...], preferred_element_type=jnp.float32)
    deg = d0_ref[...] + d1_ref[...] + 1.0
    dinv = lax.rsqrt(deg)
    dinv_ref[...] = dinv
    hs_ref[pl.ds(0, NN), :] = h1 * dinv[:NN]
    hs_ref[pl.ds(NN, NP - NN), :] = jnp.zeros((NP - NN, H), jnp.float32)


def _layer2_body(a0_ref, a1_ref, hs_ref, dinv_ref, w2_ref, b1_ref, o_ref):
    dinv = dinv_ref[...]
    out1 = dinv * (a0_ref[...] + a1_ref[...] + hs_ref[...]) + b1_ref[...]
    r = jnp.maximum(out1, 0.0)
    h2 = jnp.dot(r, w2_ref[...], preferred_element_type=jnp.float32)
    o_ref[...] = h2 * dinv


def _final_body(a0_ref, a1_ref, hsc_ref, dinvc_ref, b2_ref, o_ref):
    t = dinvc_ref[...] * (a0_ref[...] + a1_ref[...] + hsc_ref[...]) + b2_ref[...]
    col = lax.broadcasted_iota(jnp.int32, t.shape, 1)
    logit = jnp.where(col < NCLS, t, -1e30)
    m = jnp.max(logit, axis=1, keepdims=True)
    e = jnp.exp(logit - m)
    s = jnp.sum(e, axis=1, keepdims=True)
    o_ref[...] = logit - m - jnp.log(s)


_edge_acc16 = _make_edge_acc(H)
_center_acc = _make_center_acc()
_deg_compact = _make_deg_compact()


def kernel(x, edge_index, batch, W1, b1, W2, b2):
    f32 = jnp.float32
    i32 = jnp.int32
    ei = edge_index.astype(i32)
    padi = jnp.full((EP - E,), PN, i32)
    srcp = jnp.concatenate([ei[0], padi])
    dstp = jnp.concatenate([ei[1], padi])
    src3 = srcp.reshape(NT, GPT, CHUNK)
    dst3 = dstp.reshape(NT, GPT, CHUNK)
    src2 = srcp.reshape(NT, GPT * CHUNK)
    dst2 = dstp.reshape(NT, GPT * CHUNK)
    zdeg = jnp.zeros((NP,), f32)
    z16 = jnp.zeros((NP // NS, H), f32)
    z48 = jnp.zeros((NP // NS, CPAD), f32)

    batch_i = batch.astype(i32)
    first = jnp.concatenate(
        [jnp.ones((1,), jnp.bool_), batch_i[1:] != batch_i[:-1]])
    slot_map = jnp.concatenate(
        [jnp.where(first, batch_i, -1), jnp.full((NP - NN,), -1, i32)])

    deg, pk, cnts = _deg_compact(src2, dst2, slot_map, zdeg)
    d0 = deg[0].reshape(NP, 1)
    d1 = deg[1].reshape(NP, 1)

    dinv, h1s = pl.pallas_call(
        _prep_body,
        out_shape=(jax.ShapeDtypeStruct((NP, 1), f32),
                   jax.ShapeDtypeStruct((NP, H), f32)),
    )(x, W1, d0, d1)

    acc1 = _edge_acc16(src3, dst3, h1s, z16)

    W2p = jnp.zeros((H, CPAD), f32).at[:, :NCLS].set(W2)
    h2s = pl.pallas_call(
        _layer2_body,
        out_shape=jax.ShapeDtypeStruct((NP, CPAD), f32),
    )(acc1[0], acc1[1], h1s, dinv, W2p, b1.reshape(1, H))

    acc2 = _center_acc(pk, cnts, h2s, z48)

    hsc = h2s.reshape(NSLOT, NP // NSLOT, CPAD)[:, 0, :]
    dinvc = dinv.reshape(NSLOT, NP // NSLOT)[:, 0:1]
    b2p = jnp.zeros((1, CPAD), f32).at[0, :NCLS].set(b2)

    outp = pl.pallas_call(
        _final_body,
        out_shape=jax.ShapeDtypeStruct((NSLOT, CPAD), f32),
    )(acc2[0], acc2[1], hsc, dinvc, b2p)
    return outp[:NGRAPH, :NCLS]

# --- scband reference (transcript-rebuilt; emitter-appended) ---
"""Pipeline reference for scband-gcn-28518582845759 (READ-ONLY COPY).

The authoritative reference and input builder live on the scoring server;
editing this copy changes nothing except your own understanding.
"""

import jax, jax.numpy as jnp
import numpy as np

N_NODES = 10000
N_EDGES = 320000
D_FEAT = 128
HIDDEN = 16
N_CLASSES = 40
N_GRAPHS = 250


def setup_inputs(seed: int = 0) -> dict:
    key = jax.random.key(seed)
    k_x, k_ei, k_w1, k_b1, k_w2, k_b2 = jax.random.split(key, 6)
    x = jax.random.normal(k_x, (N_NODES, D_FEAT), dtype=jnp.float32)
    edge_index = jax.random.randint(k_ei, (2, N_EDGES), 0, N_NODES, dtype=jnp.int64)
    # sorted batch vector: 250 graphs x 40 nodes (deterministic, sorted)
    batch = jnp.repeat(jnp.arange(N_GRAPHS, dtype=jnp.int64), N_NODES // N_GRAPHS)
    # GCNConv parameters (glorot-ish init)
    W1 = jax.random.normal(k_w1, (D_FEAT, HIDDEN), dtype=jnp.float32) * (1.0 / np.sqrt(D_FEAT))
    b1 = jnp.zeros((HIDDEN,), dtype=jnp.float32)
    W2 = jax.random.normal(k_w2, (HIDDEN, N_CLASSES), dtype=jnp.float32) * (1.0 / np.sqrt(HIDDEN))
    b2 = jnp.zeros((N_CLASSES,), dtype=jnp.float32)
    return {"x": x, "edge_index": edge_index, "batch": batch, "W1": W1, "b1": b1, "W2": W2, "b2": b2}


def gcn_conv(x, src, dst, n_nodes, W, b):
    # PyG GCNConv: add self loops, symmetric normalization, x @ W, scatter-add, + bias
    h = x @ W
    deg = jnp.zeros((n_nodes,), dtype=h.dtype).at[dst].add(1.0)
    dinv = jnp.where(deg > 0, deg ** -0.5, 0.0)
    norm = dinv[src] * dinv[dst]
    msg = h[src] * norm[:, None]
    out = jnp.zeros((n_nodes, h.shape[1]), dtype=h.dtype).at[dst].add(msg)
    return out + b


def reference(x, edge_index, batch, W1, b1, W2, b2):
    n = x.shape[0]
    loops = jnp.arange(n, dtype=edge_index.dtype)
    src = jnp.concatenate([edge_index[0], loops])
    dst = jnp.concatenate([edge_index[1], loops])

    h = gcn_conv(x, src, dst, n, W1, b1)
    h = jax.nn.relu(h)
    # dropout in eval mode -> identity
    h = gcn_conv(h, src, dst, n, W2, b2)

    # np.unique(return_index) -> first occurrence per graph id (batch is sorted)
    center_indices = jnp.searchsorted(batch, jnp.arange(N_GRAPHS, dtype=batch.dtype))
    h = h[center_indices]
    return jax.nn.log_softmax(h, axis=1)

if __name__ == "__main__":
    import jax
    _d = setup_inputs()
    print(jax.jit(kernel)(*tuple(_d.values())))

</pallas_src>

<mosaic_0001>
#map = affine_map<(d0, d1) -> (0, 0, 0)>
#map1 = affine_map<(d0, d1) -> (0, 0)>
module attributes {stable_mosaic.version = 14 : i64} {
  func.func @k(%arg0: i32, %arg1: i32, %arg2: memref<32x80x128xi32, #tpu.memory_space<hbm>>, %arg3: memref<32x16xi32, #tpu.memory_space<hbm>>, %arg4: memref<10240x48xf32, #tpu.memory_space<hbm>>, %arg5: memref<640x48xf32, #tpu.memory_space<hbm>>, %arg6: memref<2x256x48xf32, #tpu.memory_space<hbm>>, %arg7: memref<16xi32, #tpu.memory_space<vmem>>, %arg8: memref<128xi32, #tpu.memory_space<vmem>>, %arg9: memref<128xi32, #tpu.memory_space<vmem>>, %arg10: memref<128xi32, #tpu.memory_space<vmem>>, %arg11: memref<128x48xf32, #tpu.memory_space<vmem>>, %arg12: memref<256x48xf32, #tpu.memory_space<vmem_shared>>, %arg13: memref<!tpu.dma_semaphore, #tpu.memory_space<semaphore_mem>>) attributes {dimension_semantics = [#tpu.dimension_semantics<core_parallel>, #tpu.dimension_semantics<subcore_parallel>], iteration_bounds = array<i64: 2, 16>, scalar_prefetch = 0 : i64, scratch_operands = 7 : i64, tpu.core_type = #tpu.core_type<sc_vector_subcore>, window_params = [{transform_indices = #map}, {transform_indices = #map1}, {transform_indices = #map1}, {transform_indices = #map1}, {transform_indices = #map}]} {
    %mul3A = arith.constant 2 : i32
    %mul3A_0 = arith.muli %arg1, %mul3A : i32
    %add3A = arith.addi %mul3A_0, %arg0 : i32
    %mul3A_1 = arith.constant 16 : i32
    %mul3A_2 = arith.muli %arg1, %mul3A_1 : i32
    "tpu.region"() ({
      %run_scoped3A = tpu.sem_alloc : memref<!tpu.dma_semaphore, #tpu.memory_space<semaphore_mem>>
      %dma_start3A = arith.constant 0 : i32
      %dma_start3A_22 = tpu.memref_slice %arg12[%mul3A_2, %dma_start3A] : memref<256x48xf32, #tpu.memory_space<vmem_shared>> -> memref<16x48xf32, #tpu.memory_space<vmem_shared>>
      %dma_start3A_23 = arith.constant 0 : i32
      %dma_start3A_24 = arith.constant 0 : i32
      %dma_start3A_25 = tpu.memref_slice %arg5[%dma_start3A_23, %dma_start3A_24] : memref<640x48xf32, #tpu.memory_space<hbm>> -> memref<16x48xf32, #tpu.memory_space<hbm>>
      tpu.enqueue_dma source(%dma_start3A_25 : memref<16x48xf32, #tpu.memory_space<hbm>>) target(%dma_start3A_22 : memref<16x48xf32, #tpu.memory_space<vmem_shared>>) target_semaphore(%run_scoped3A : memref<!tpu.dma_semaphore, #tpu.memory_space<semaphore_mem>>)
      %dma_wait3A = arith.constant 0 : i32
      %dma_wait3A_26 = tpu.memref_slice %arg12[%mul3A_2, %dma_wait3A] : memref<256x48xf32, #tpu.memory_space<vmem_shared>> -> memref<16x48xf32, #tpu.memory_space<vmem_shared>>
      %dma_wait3A_27 = arith.constant 0 : i32
      %dma_wait3A_28 = arith.constant 0 : i32
      %dma_wait3A_29 = tpu.memref_slice %arg5[%dma_wait3A_27, %dma_wait3A_28] : memref<640x48xf32, #tpu.memory_space<hbm>> -> memref<16x48xf32, #tpu.memory_space<hbm>>
      tpu.wait_dma2 semaphore(%run_scoped3A : memref<!tpu.dma_semaphore, #tpu.memory_space<semaphore_mem>>) src(%dma_wait3A_29 : memref<16x48xf32, #tpu.memory_space<hbm>>) dst(%dma_wait3A_26 : memref<16x48xf32, #tpu.memory_space<vmem_shared>>)
      tpu.yield
    }) : () -> ()
    "tpu.region"() ({
      %run_scoped3A = tpu.sem_alloc : memref<!tpu.dma_semaphore, #tpu.memory_space<semaphore_mem>>
      %dma_start3A = arith.constant 0 : i32
      %dma_start3A_22 = tpu.memref_slice %arg3[%add3A, %dma_start3A] : memref<32x16xi32, #tpu.memory_space<hbm>> -> memref<1x16xi32, #tpu.memory_space<hbm>>
      %dma_start3A_23 = tpu.memref_squeeze %dma_start3A_22 : memref<1x16xi32, #tpu.memory_space<hbm>> -> memref<16xi32, #tpu.memory_space<hbm>>
      %dma_start3A_24 = arith.constant 0 : i32
      %dma_start3A_25 = tpu.memref_slice %arg3[%add3A, %dma_start3A_24] : memref<32x16xi32, #tpu.memory_space<hbm>> -> memref<1x16xi32, #tpu.memory_space<hbm>>
      %dma_start3A_26 = tpu.memref_squeeze %dma_start3A_25 : memref<1x16xi32, #tpu.memory_space<hbm>> -> memref<16xi32, #tpu.memory_space<hbm>>
      tpu.enqueue_dma source(%dma_start3A_26 : memref<16xi32, #tpu.memory_space<hbm>>) target(%arg7 : memref<16xi32, #tpu.memory_space<vmem>>) target_semaphore(%run_scoped3A : memref<!tpu.dma_semaphore, #tpu.memory_space<semaphore_mem>>)
      %dma_wait3A = arith.constant 0 : i32
      %dma_wait3A_27 = tpu.memref_slice %arg3[%add3A, %dma_wait3A] : memref<32x16xi32, #tpu.memory_space<hbm>> -> memref<1x16xi32, #tpu.memory_space<hbm>>
      %dma_wait3A_28 = tpu.memref_squeeze %dma_wait3A_27 : memref<1x16xi32, #tpu.memory_space<hbm>> -> memref<16xi32, #tpu.memory_space<hbm>>
      %dma_wait3A_29 = arith.constant 0 : i32
      %dma_wait3A_30 = tpu.memref_slice %arg3[%add3A, %dma_wait3A_29] : memref<32x16xi32, #tpu.memory_space<hbm>> -> memref<1x16xi32, #tpu.memory_space<hbm>>
      %dma_wait3A_31 = tpu.memref_squeeze %dma_wait3A_30 : memref<1x16xi32, #tpu.memory_space<hbm>> -> memref<16xi32, #tpu.memory_space<hbm>>
      tpu.wait_dma2 semaphore(%run_scoped3A : memref<!tpu.dma_semaphore, #tpu.memory_space<semaphore_mem>>) src(%dma_wait3A_31 : memref<16xi32, #tpu.memory_space<hbm>>) dst(%arg7 : memref<16xi32, #tpu.memory_space<vmem>>)
      tpu.yield
    }) : () -> ()
    %barrier3A = arith.constant 0 : index
    tpu.barrier barrier_id(%barrier3A)
    %get3A = arith.constant 0 : index
    %get3A_3 = tpu.vector_load %arg7[%get3A] {strides = array<i32>} : memref<16xi32, #tpu.memory_space<vmem>>, vector<16xi32>,
    %slice3A = vector.extract_strided_slice %get3A_3 {offsets = [0], sizes = [1], strides = [1]} : vector<16xi32> to vector<1xi32>
    %squeeze3A = vector.extract %slice3A[0] : i32 from vector<1xi32>
    %add3A_4 = arith.constant 128 : i32
    %add3A_5 = arith.addi %squeeze3A, %add3A_4 : i32
    %sub3A = arith.constant 1 : i32
    %sub3A_6 = arith.subi %add3A_5, %sub3A : i32
    %div3A = arith.constant 128 : i32
    %div3A_7 = arith.divsi %sub3A_6, %div3A : i32
    %while3A = arith.constant 0 : i32
    %while3A_8 = arith.constant 0 : i32
    %while3A_9 = arith.subi %div3A_7, %while3A_8 : i32
    %while3A_10 = arith.addi %while3A_8, %while3A_9 : i32
    %while3A_11 = arith.constant 1 : i32
    %while3A_12 = arith.divsi %while3A_9, %while3A_11 : i32
    %while3A_13 = arith.muli %while3A_12, %while3A_11 : i32
    %while3A_14 = arith.addi %while3A_8, %while3A_13 : i32
    %while3A_15 = arith.constant 1 : i32
    scf.for %while3A_22 = %while3A_8 to %while3A_14 step %while3A_15  : i32 {
      "tpu.region"() ({
        %run_scoped3A = tpu.sem_alloc : memref<!tpu.dma_semaphore, #tpu.memory_space<semaphore_mem>>
        %dma_start3A_120 = arith.constant 0 : i32
        %dma_start3A_121 = arith.constant 0 : i32
        %dma_start3A_122 = tpu.memref_slice %arg2[%add3A, %dma_start3A_120, %dma_start3A_121] : memref<32x80x128xi32, #tpu.memory_space<hbm>> -> memref<1x80x128xi32, #tpu.memory_space<hbm>>
        %dma_start3A_123 = tpu.memref_squeeze %dma_start3A_122 : memref<1x80x128xi32, #tpu.memory_space<hbm>> -> memref<80x128xi32, #tpu.memory_space<hbm>>
        %dma_start3A_124 = arith.constant 0 : i32
        %dma_start3A_125 = tpu.memref_slice %dma_start3A_123[%while3A_22, %dma_start3A_124] : memref<80x128xi32, #tpu.memory_space<hbm>> -> memref<1x128xi32, #tpu.memory_space<hbm>>
        %dma_start3A_126 = tpu.memref_squeeze %dma_start3A_125 : memref<1x128xi32, #tpu.memory_space<hbm>> -> memref<128xi32, #tpu.memory_space<hbm>>
        %dma_start3A_127 = arith.constant 0 : i32
        %dma_start3A_128 = arith.constant 0 : i32
        %dma_start3A_129 = tpu.memref_slice %arg2[%add3A, %dma_start3A_127, %dma_start3A_128] : memref<32x80x128xi32, #tpu.memory_space<hbm>> -> memref<1x80x128xi32, #tpu.memory_space<hbm>>
        %dma_start3A_130 = tpu.memref_squeeze %dma_start3A_129 : memref<1x80x128xi32, #tpu.memory_space<hbm>> -> memref<80x128xi32, #tpu.memory_space<hbm>>
        %dma_start3A_131 = arith.constant 0 : i32
        %dma_start3A_132 = tpu.memref_slice %dma_start3A_130[%while3A_22, %dma_start3A_131] : memref<80x128xi32, #tpu.memory_space<hbm>> -> memref<1x128xi32, #tpu.memory_space<hbm>>
        %dma_start3A_133 = tpu.memref_squeeze %dma_start3A_132 : memref<1x128xi32, #tpu.memory_space<hbm>> -> memref<128xi32, #tpu.memory_space<hbm>>
        tpu.enqueue_dma source(%dma_start3A_133 : memref<128xi32, #tpu.memory_space<hbm>>) target(%arg8 : memref<128xi32, #tpu.memory_space<vmem>>) target_semaphore(%run_scoped3A : memref<!tpu.dma_semaphore, #tpu.memory_space<semaphore_mem>>)
        %dma_wait3A_134 = arith.constant 0 : i32
        %dma_wait3A_135 = arith.constant 0 : i32
        %dma_wait3A_136 = tpu.memref_slice %arg2[%add3A, %dma_wait3A_134, %dma_wait3A_135] : memref<32x80x128xi32, #tpu.memory_space<hbm>> -> memref<1x80x128xi32, #tpu.memory_space<hbm>>
        %dma_wait3A_137 = tpu.memref_squeeze %dma_wait3A_136 : memref<1x80x128xi32, #tpu.memory_space<hbm>> -> memref<80x128xi32, #tpu.memory_space<hbm>>
        %dma_wait3A_138 = arith.constant 0 : i32
        %dma_wait3A_139 = tpu.memref_slice %dma_wait3A_137[%while3A_22, %dma_wait3A_138] : memref<80x128xi32, #tpu.memory_space<hbm>> -> memref<1x128xi32, #tpu.memory_space<hbm>>
        %dma_wait3A_140 = tpu.memref_squeeze %dma_wait3A_139 : memref<1x128xi32, #tpu.memory_space<hbm>> -> memref<128xi32, #tpu.memory_space<hbm>>
        %dma_wait3A_141 = arith.constant 0 : i32
        %dma_wait3A_142 = arith.constant 0 : i32
        %dma_wait3A_143 = tpu.memref_slice %arg2[%add3A, %dma_wait3A_141, %dma_wait3A_142] : memref<32x80x128xi32, #tpu.memory_space<hbm>> -> memref<1x80x128xi32, #tpu.memory_space<hbm>>
        %dma_wait3A_144 = tpu.memref_squeeze %dma_wait3A_143 : memref<1x80x128xi32, #tpu.memory_space<hbm>> -> memref<80x128xi32, #tpu.memory_space<hbm>>
        %dma_wait3A_145 = arith.constant 0 : i32
        %dma_wait3A_146 = tpu.memref_slice %dma_wait3A_144[%while3A_22, %dma_wait3A_145] : memref<80x128xi32, #tpu.memory_space<hbm>> -> memref<1x128xi32, #tpu.memory_space<hbm>>
        %dma_wait3A_147 = tpu.memref_squeeze %dma_wait3A_146 : memref<1x128xi32, #tpu.memory_space<hbm>> -> memref<128xi32, #tpu.memory_space<hbm>>
        tpu.wait_dma2 semaphore(%run_scoped3A : memref<!tpu.dma_semaphore, #tpu.memory_space<semaphore_mem>>) src(%dma_wait3A_147 : memref<128xi32, #tpu.memory_space<hbm>>) dst(%arg8 : memref<128xi32, #tpu.memory_space<vmem>>)
        tpu.yield
      }) : () -> ()
      %get3A_23 = arith.constant 0 : index
      %get3A_24 = tpu.vector_load %arg8[%get3A_23] {strides = array<i32>} : memref<128xi32, #tpu.memory_space<vmem>>, vector<16xi32>,
      %and3A = arith.constant 262143 : i32
      %and3A_25 = vector.broadcast %and3A : i32 to vector<16xi32>
      %and3A_26 = arith.andi %get3A_24, %and3A_25 : vector<16xi32>
      %swap3A = arith.constant 0 : index
      %swap3A_27 = tpu.vector_load %arg9[%swap3A] {strides = array<i32>} : memref<128xi32, #tpu.memory_space<vmem>>, vector<16xi32>,
      tpu.vector_store %arg9[%swap3A], %and3A_26 {strides = array<i32>} : memref<128xi32, #tpu.memory_space<vmem>>, vector<16xi32>,
      %shift_right_logical3A = arith.constant 18 : i32
      %shift_right_logical3A_28 = vector.broadcast %shift_right_logical3A : i32 to vector<16xi32>
      %shift_right_logical3A_29 = arith.shrui %get3A_24, %shift_right_logical3A_28 : vector<16xi32>
      %swap3A_30 = arith.constant 0 : index
      %swap3A_31 = tpu.vector_load %arg10[%swap3A_30] {strides = array<i32>} : memref<128xi32, #tpu.memory_space<vmem>>, vector<16xi32>,
      tpu.vector_store %arg10[%swap3A_30], %shift_right_logical3A_29 {strides = array<i32>} : memref<128xi32, #tpu.memory_space<vmem>>, vector<16xi32>,
      %get3A_32 = arith.constant 16 : index
      %get3A_33 = tpu.vector_load %arg8[%get3A_32] {strides = array<i32>} : memref<128xi32, #tpu.memory_space<vmem>>, vector<16xi32>,
      %and3A_34 = arith.constant 262143 : i32
      %and3A_35 = vector.broadcast %and3A_34 : i32 to vector<16xi32>
      %and3A_36 = arith.andi %get3A_33, %and3A_35 : vector<16xi32>
      %swap3A_37 = arith.constant 16 : index
      %swap3A_38 = tpu.vector_load %arg9[%swap3A_37] {strides = array<i32>} : memref<128xi32, #tpu.memory_space<vmem>>, vector<16xi32>,
      tpu.vector_store %arg9[%swap3A_37], %and3A_36 {strides = array<i32>} : memref<128xi32, #tpu.memory_space<vmem>>, vector<16xi32>,
      %shift_right_logical3A_39 = arith.constant 18 : i32
      %shift_right_logical3A_40 = vector.broadcast %shift_right_logical3A_39 : i32 to vector<16xi32>
      %shift_right_logical3A_41 = arith.shrui %get3A_33, %shift_right_logical3A_40 : vector<16xi32>
      %swap3A_42 = arith.constant 16 : index
      %swap3A_43 = tpu.vector_load %arg10[%swap3A_42] {strides = array<i32>} : memref<128xi32, #tpu.memory_space<vmem>>, vector<16xi32>,
      tpu.vector_store %arg10[%swap3A_42], %shift_right_logical3A_41 {strides = array<i32>} : memref<128xi32, #tpu.memory_space<vmem>>, vector<16xi32>,
      %get3A_44 = arith.constant 32 : index
      %get3A_45 = tpu.vector_load %arg8[%get3A_44] {strides = array<i32>} : memref<128xi32, #tpu.memory_space<vmem>>, vector<16xi32>,
      %and3A_46 = arith.constant 262143 : i32
      %and3A_47 = vector.broadcast %and3A_46 : i32 to vector<16xi32>
      %and3A_48 = arith.andi %get3A_45, %and3A_47 : vector<16xi32>
      %swap3A_49 = arith.constant 32 : index
      %swap3A_50 = tpu.vector_load %arg9[%swap3A_49] {strides = array<i32>} : memref<128xi32, #tpu.memory_space<vmem>>, vector<16xi32>,
      tpu.vector_store %arg9[%swap3A_49], %and3A_48 {strides = array<i32>} : memref<128xi32, #tpu.memory_space<vmem>>, vector<16xi32>,
      %shift_right_logical3A_51 = arith.constant 18 : i32
      %shift_right_logical3A_52 = vector.broadcast %shift_right_logical3A_51 : i32 to vector<16xi32>
      %shift_right_logical3A_53 = arith.shrui %get3A_45, %shift_right_logical3A_52 : vector<16xi32>
      %swap3A_54 = arith.constant 32 : index
      %swap3A_55 = tpu.vector_load %arg10[%swap3A_54] {strides = array<i32>} : memref<128xi32, #tpu.memory_space<vmem>>, vector<16xi32>,
      tpu.vector_store %arg10[%swap3A_54], %shift_right_logical3A_53 {strides = array<i32>} : memref<128xi32, #tpu.memory_space<vmem>>, vector<16xi32>,
      %get3A_56 = arith.constant 48 : index
      %get3A_57 = tpu.vector_load %arg8[%get3A_56] {strides = array<i32>} : memref<128xi32, #tpu.memory_space<vmem>>, vector<16xi32>,
      %and3A_58 = arith.constant 262143 : i32
      %and3A_59 = vector.broadcast %and3A_58 : i32 to vector<16xi32>
      %and3A_60 = arith.andi %get3A_57, %and3A_59 : vector<16xi32>
      %swap3A_61 = arith.constant 48 : index
      %swap3A_62 = tpu.vector_load %arg9[%swap3A_61] {strides = array<i32>} : memref<128xi32, #tpu.memory_space<vmem>>, vector<16xi32>,
      tpu.vector_store %arg9[%swap3A_61], %and3A_60 {strides = array<i32>} : memref<128xi32, #tpu.memory_space<vmem>>, vector<16xi32>,
      %shift_right_logical3A_63 = arith.constant 18 : i32
      %shift_right_logical3A_64 = vector.broadcast %shift_right_logical3A_63 : i32 to vector<16xi32>
      %shift_right_logical3A_65 = arith.shrui %get3A_57, %shift_right_logical3A_64 : vector<16xi32>
      %swap3A_66 = arith.constant 48 : index
      %swap3A_67 = tpu.vector_load %arg10[%swap3A_66] {strides = array<i32>} : memref<128xi32, #tpu.memory_space<vmem>>, vector<16xi32>,
      tpu.vector_store %arg10[%swap3A_66], %shift_right_logical3A_65 {strides = array<i32>} : memref<128xi32, #tpu.memory_space<vmem>>, vector<16xi32>,
      %get3A_68 = arith.constant 64 : index
      %get3A_69 = tpu.vector_load %arg8[%get3A_68] {strides = array<i32>} : memref<128xi32, #tpu.memory_space<vmem>>, vector<16xi32>,
      %and3A_70 = arith.constant 262143 : i32
      %and3A_71 = vector.broadcast %and3A_70 : i32 to vector<16xi32>
      %and3A_72 = arith.andi %get3A_69, %and3A_71 : vector<16xi32>
      %swap3A_73 = arith.constant 64 : index
      %swap3A_74 = tpu.vector_load %arg9[%swap3A_73] {strides = array<i32>} : memref<128xi32, #tpu.memory_space<vmem>>, vector<16xi32>,
      tpu.vector_store %arg9[%swap3A_73], %and3A_72 {strides = array<i32>} : memref<128xi32, #tpu.memory_space<vmem>>, vector<16xi32>,
      %shift_right_logical3A_75 = arith.constant 18 : i32
      %shift_right_logical3A_76 = vector.broadcast %shift_right_logical3A_75 : i32 to vector<16xi32>
      %shift_right_logical3A_77 = arith.shrui %get3A_69, %shift_right_logical3A_76 : vector<16xi32>
      %swap3A_78 = arith.constant 64 : index
      %swap3A_79 = tpu.vector_load %arg10[%swap3A_78] {strides = array<i32>} : memref<128xi32, #tpu.memory_space<vmem>>, vector<16xi32>,
      tpu.vector_store %arg10[%swap3A_78], %shift_right_logical3A_77 {strides = array<i32>} : memref<128xi32, #tpu.memory_space<vmem>>, vector<16xi32>,
      %get3A_80 = arith.constant 80 : index
      %get3A_81 = tpu.vector_load %arg8[%get3A_80] {strides = array<i32>} : memref<128xi32, #tpu.memory_space<vmem>>, vector<16xi32>,
      %and3A_82 = arith.constant 262143 : i32
      %and3A_83 = vector.broadcast %and3A_82 : i32 to vector<16xi32>
      %and3A_84 = arith.andi %get3A_81, %and3A_83 : vector<16xi32>
      %swap3A_85 = arith.constant 80 : index
      %swap3A_86 = tpu.vector_load %arg9[%swap3A_85] {strides = array<i32>} : memref<128xi32, #tpu.memory_space<vmem>>, vector<16xi32>,
      tpu.vector_store %arg9[%swap3A_85], %and3A_84 {strides = array<i32>} : memref<128xi32, #tpu.memory_space<vmem>>, vector<16xi32>,
      %shift_right_logical3A_87 = arith.constant 18 : i32
      %shift_right_logical3A_88 = vector.broadcast %shift_right_logical3A_87 : i32 to vector<16xi32>
      %shift_right_logical3A_89 = arith.shrui %get3A_81, %shift_right_logical3A_88 : vector<16xi32>
      %swap3A_90 = arith.constant 80 : index
      %swap3A_91 = tpu.vector_load %arg10[%swap3A_90] {strides = array<i32>} : memref<128xi32, #tpu.memory_space<vmem>>, vector<16xi32>,
      tpu.vector_store %arg10[%swap3A_90], %shift_right_logical3A_89 {strides = array<i32>} : memref<128xi32, #tpu.memory_space<vmem>>, vector<16xi32>,
      %get3A_92 = arith.constant 96 : index
      %get3A_93 = tpu.vector_load %arg8[%get3A_92] {strides = array<i32>} : memref<128xi32, #tpu.memory_space<vmem>>, vector<16xi32>,
      %and3A_94 = arith.constant 262143 : i32
      %and3A_95 = vector.broadcast %and3A_94 : i32 to vector<16xi32>
      %and3A_96 = arith.andi %get3A_93, %and3A_95 : vector<16xi32>
      %swap3A_97 = arith.constant 96 : index
      %swap3A_98 = tpu.vector_load %arg9[%swap3A_97] {strides = array<i32>} : memref<128xi32, #tpu.memory_space<vmem>>, vector<16xi32>,
      tpu.vector_store %arg9[%swap3A_97], %and3A_96 {strides = array<i32>} : memref<128xi32, #tpu.memory_space<vmem>>, vector<16xi32>,
      %shift_right_logical3A_99 = arith.constant 18 : i32
      %shift_right_logical3A_100 = vector.broadcast %shift_right_logical3A_99 : i32 to vector<16xi32>
      %shift_right_logical3A_101 = arith.shrui %get3A_93, %shift_right_logical3A_100 : vector<16xi32>
      %swap3A_102 = arith.constant 96 : index
      %swap3A_103 = tpu.vector_load %arg10[%swap3A_102] {strides = array<i32>} : memref<128xi32, #tpu.memory_space<vmem>>, vector<16xi32>,
      tpu.vector_store %arg10[%swap3A_102], %shift_right_logical3A_101 {strides = array<i32>} : memref<128xi32, #tpu.memory_space<vmem>>, vector<16xi32>,
      %get3A_104 = arith.constant 112 : index
      %get3A_105 = tpu.vector_load %arg8[%get3A_104] {strides = array<i32>} : memref<128xi32, #tpu.memory_space<vmem>>, vector<16xi32>,
      %and3A_106 = arith.constant 262143 : i32
      %and3A_107 = vector.broadcast %and3A_106 : i32 to vector<16xi32>
      %and3A_108 = arith.andi %get3A_105, %and3A_107 : vector<16xi32>
      %swap3A_109 = arith.constant 112 : index
      %swap3A_110 = tpu.vector_load %arg9[%swap3A_109] {strides = array<i32>} : memref<128xi32, #tpu.memory_space<vmem>>, vector<16xi32>,
      tpu.vector_store %arg9[%swap3A_109], %and3A_108 {strides = array<i32>} : memref<128xi32, #tpu.memory_space<vmem>>, vector<16xi32>,
      %shift_right_logical3A_111 = arith.constant 18 : i32
      %shift_right_logical3A_112 = vector.broadcast %shift_right_logical3A_111 : i32 to vector<16xi32>
      %shift_right_logical3A_113 = arith.shrui %get3A_105, %shift_right_logical3A_112 : vector<16xi32>
      %swap3A_114 = arith.constant 112 : index
      %swap3A_115 = tpu.vector_load %arg10[%swap3A_114] {strides = array<i32>} : memref<128xi32, #tpu.memory_space<vmem>>, vector<16xi32>,
      tpu.vector_store %arg10[%swap3A_114], %shift_right_logical3A_113 {strides = array<i32>} : memref<128xi32, #tpu.memory_space<vmem>>, vector<16xi32>,
      %dma_start3A = arith.constant 0 : i32
      %dma_start3A_116 = arith.constant 0 : i32
      %dma_start3A_117 = tpu.memref_slice %arg4[%dma_start3A, %dma_start3A_116] : memref<10240x48xf32, #tpu.memory_space<hbm>> -> memref<10240x48xf32, #tpu.memory_space<hbm>>
      tpu.enqueue_indirect_dma source(%dma_start3A_117 : memref<10240x48xf32, #tpu.memory_space<hbm>>) target(%arg11 : memref<128x48xf32, #tpu.memory_space<vmem>>) offsets(%arg9 : memref<128xi32, #tpu.memory_space<vmem>>) semaphore(%arg13 : memref<!tpu.dma_semaphore, #tpu.memory_space<semaphore_mem>>)
      %dma_wait3A = arith.constant 0 : i32
      %dma_wait3A_118 = arith.constant 0 : i32
      %dma_wait3A_119 = tpu.memref_slice %arg4[%dma_wait3A, %dma_wait3A_118] : memref<10240x48xf32, #tpu.memory_space<hbm>> -> memref<10240x48xf32, #tpu.memory_space<hbm>>
      tpu.wait_indirect_dma semaphore(%arg13 : memref<!tpu.dma_semaphore, #tpu.memory_space<semaphore_mem>>) src(%dma_wait3A_119 : memref<10240x48xf32, #tpu.memory_space<hbm>>) dst(%arg11 : memref<128x48xf32, #tpu.memory_space<vmem>>)
      "tpu.region"() ({
        %run_scoped3A = tpu.sem_alloc : memref<!tpu.dma_semaphore, #tpu.memory_space<semaphore_mem>>
        %dma_start3A_120 = arith.constant 0 : i32
        %dma_start3A_121 = arith.constant 0 : i32
        %dma_start3A_122 = tpu.memref_slice %arg12[%dma_start3A_120, %dma_start3A_121] : memref<256x48xf32, #tpu.memory_space<vmem_shared>> -> memref<256x48xf32, #tpu.memory_space<vmem_shared>>
        tpu.enqueue_indirect_dma source(%arg11 : memref<128x48xf32, #tpu.memory_space<vmem>>) target(%dma_start3A_122 : memref<256x48xf32, #tpu.memory_space<vmem_shared>>) offsets(%arg10 : memref<128xi32, #tpu.memory_space<vmem>>) semaphore(%run_scoped3A : memref<!tpu.dma_semaphore, #tpu.memory_space<semaphore_mem>>) {add = true}
        %dma_wait3A_123 = arith.constant 0 : i32
        %dma_wait3A_124 = arith.constant 0 : i32
        %dma_wait3A_125 = tpu.memref_slice %arg12[%dma_wait3A_123, %dma_wait3A_124] : memref<256x48xf32, #tpu.memory_space<vmem_shared>> -> memref<256x48xf32, #tpu.memory_space<vmem_shared>>
        tpu.wait_indirect_dma semaphore(%run_scoped3A : memref<!tpu.dma_semaphore, #tpu.memory_space<semaphore_mem>>) src(%arg11 : memref<128x48xf32, #tpu.memory_space<vmem>>) dst(%dma_wait3A_125 : memref<256x48xf32, #tpu.memory_space<vmem_shared>>)
        tpu.yield
      }) : () -> ()
    }
    %while3A_16 = arith.constant 1 : i32
    scf.for %while3A_22 = %while3A_14 to %while3A_10 step %while3A_16  : i32 {
      "tpu.region"() ({
        %run_scoped3A = tpu.sem_alloc : memref<!tpu.dma_semaphore, #tpu.memory_space<semaphore_mem>>
        %dma_start3A_120 = arith.constant 0 : i32
        %dma_start3A_121 = arith.constant 0 : i32
        %dma_start3A_122 = tpu.memref_slice %arg2[%add3A, %dma_start3A_120, %dma_start3A_121] : memref<32x80x128xi32, #tpu.memory_space<hbm>> -> memref<1x80x128xi32, #tpu.memory_space<hbm>>
        %dma_start3A_123 = tpu.memref_squeeze %dma_start3A_122 : memref<1x80x128xi32, #tpu.memory_space<hbm>> -> memref<80x128xi32, #tpu.memory_space<hbm>>
        %dma_start3A_124 = arith.constant 0 : i32
        %dma_start3A_125 = tpu.memref_slice %dma_start3A_123[%while3A_22, %dma_start3A_124] : memref<80x128xi32, #tpu.memory_space<hbm>> -> memref<1x128xi32, #tpu.memory_space<hbm>>
        %dma_start3A_126 = tpu.memref_squeeze %dma_start3A_125 : memref<1x128xi32, #tpu.memory_space<hbm>> -> memref<128xi32, #tpu.memory_space<hbm>>
        %dma_start3A_127 = arith.constant 0 : i32
        %dma_start3A_128 = arith.constant 0 : i32
        %dma_start3A_129 = tpu.memref_slice %arg2[%add3A, %dma_start3A_127, %dma_start3A_128] : memref<32x80x128xi32, #tpu.memory_space<hbm>> -> memref<1x80x128xi32, #tpu.memory_space<hbm>>
        %dma_start3A_130 = tpu.memref_squeeze %dma_start3A_129 : memref<1x80x128xi32, #tpu.memory_space<hbm>> -> memref<80x128xi32, #tpu.memory_space<hbm>>
        %dma_start3A_131 = arith.constant 0 : i32
        %dma_start3A_132 = tpu.memref_slice %dma_start3A_130[%while3A_22, %dma_start3A_131] : memref<80x128xi32, #tpu.memory_space<hbm>> -> memref<1x128xi32, #tpu.memory_space<hbm>>
        %dma_start3A_133 = tpu.memref_squeeze %dma_start3A_132 : memref<1x128xi32, #tpu.memory_space<hbm>> -> memref<128xi32, #tpu.memory_space<hbm>>
        tpu.enqueue_dma source(%dma_start3A_133 : memref<128xi32, #tpu.memory_space<hbm>>) target(%arg8 : memref<128xi32, #tpu.memory_space<vmem>>) target_semaphore(%run_scoped3A : memref<!tpu.dma_semaphore, #tpu.memory_space<semaphore_mem>>)
        %dma_wait3A_134 = arith.constant 0 : i32
        %dma_wait3A_135 = arith.constant 0 : i32
        %dma_wait3A_136 = tpu.memref_slice %arg2[%add3A, %dma_wait3A_134, %dma_wait3A_135] : memref<32x80x128xi32, #tpu.memory_space<hbm>> -> memref<1x80x128xi32, #tpu.memory_space<hbm>>
        %dma_wait3A_137 = tpu.memref_squeeze %dma_wait3A_136 : memref<1x80x128xi32, #tpu.memory_space<hbm>> -> memref<80x128xi32, #tpu.memory_space<hbm>>
        %dma_wait3A_138 = arith.constant 0 : i32
        %dma_wait3A_139 = tpu.memref_slice %dma_wait3A_137[%while3A_22, %dma_wait3A_138] : memref<80x128xi32, #tpu.memory_space<hbm>> -> memref<1x128xi32, #tpu.memory_space<hbm>>
        %dma_wait3A_140 = tpu.memref_squeeze %dma_wait3A_139 : memref<1x128xi32, #tpu.memory_space<hbm>> -> memref<128xi32, #tpu.memory_space<hbm>>
        %dma_wait3A_141 = arith.constant 0 : i32
        %dma_wait3A_142 = arith.constant 0 : i32
        %dma_wait3A_143 = tpu.memref_slice %arg2[%add3A, %dma_wait3A_141, %dma_wait3A_142] : memref<32x80x128xi32, #tpu.memory_space<hbm>> -> memref<1x80x128xi32, #tpu.memory_space<hbm>>
        %dma_wait3A_144 = tpu.memref_squeeze %dma_wait3A_143 : memref<1x80x128xi32, #tpu.memory_space<hbm>> -> memref<80x128xi32, #tpu.memory_space<hbm>>
        %dma_wait3A_145 = arith.constant 0 : i32
        %dma_wait3A_146 = tpu.memref_slice %dma_wait3A_144[%while3A_22, %dma_wait3A_145] : memref<80x128xi32, #tpu.memory_space<hbm>> -> memref<1x128xi32, #tpu.memory_space<hbm>>
        %dma_wait3A_147 = tpu.memref_squeeze %dma_wait3A_146 : memref<1x128xi32, #tpu.memory_space<hbm>> -> memref<128xi32, #tpu.memory_space<hbm>>
        tpu.wait_dma2 semaphore(%run_scoped3A : memref<!tpu.dma_semaphore, #tpu.memory_space<semaphore_mem>>) src(%dma_wait3A_147 : memref<128xi32, #tpu.memory_space<hbm>>) dst(%arg8 : memref<128xi32, #tpu.memory_space<vmem>>)
        tpu.yield
      }) : () -> ()
      %get3A_23 = arith.constant 0 : index
      %get3A_24 = tpu.vector_load %arg8[%get3A_23] {strides = array<i32>} : memref<128xi32, #tpu.memory_space<vmem>>, vector<16xi32>,
      %and3A = arith.constant 262143 : i32
      %and3A_25 = vector.broadcast %and3A : i32 to vector<16xi32>
      %and3A_26 = arith.andi %get3A_24, %and3A_25 : vector<16xi32>
      %swap3A = arith.constant 0 : index
      %swap3A_27 = tpu.vector_load %arg9[%swap3A] {strides = array<i32>} : memref<128xi32, #tpu.memory_space<vmem>>, vector<16xi32>,
      tpu.vector_store %arg9[%swap3A], %and3A_26 {strides = array<i32>} : memref<128xi32, #tpu.memory_space<vmem>>, vector<16xi32>,
      %shift_right_logical3A = arith.constant 18 : i32
      %shift_right_logical3A_28 = vector.broadcast %shift_right_logical3A : i32 to vector<16xi32>
      %shift_right_logical3A_29 = arith.shrui %get3A_24, %shift_right_logical3A_28 : vector<16xi32>
      %swap3A_30 = arith.constant 0 : index
      %swap3A_31 = tpu.vector_load %arg10[%swap3A_30] {strides = array<i32>} : memref<128xi32, #tpu.memory_space<vmem>>, vector<16xi32>,
      tpu.vector_store %arg10[%swap3A_30], %shift_right_logical3A_29 {strides = array<i32>} : memref<128xi32, #tpu.memory_space<vmem>>, vector<16xi32>,
      %get3A_32 = arith.constant 16 : index
      %get3A_33 = tpu.vector_load %arg8[%get3A_32] {strides = array<i32>} : memref<128xi32, #tpu.memory_space<vmem>>, vector<16xi32>,
      %and3A_34 = arith.constant 262143 : i32
      %and3A_35 = vector.broadcast %and3A_34 : i32 to vector<16xi32>
      %and3A_36 = arith.andi %get3A_33, %and3A_35 : vector<16xi32>
      %swap3A_37 = arith.constant 16 : index
      %swap3A_38 = tpu.vector_load %arg9[%swap3A_37] {strides = array<i32>} : memref<128xi32, #tpu.memory_space<vmem>>, vector<16xi32>,
      tpu.vector_store %arg9[%swap3A_37], %and3A_36 {strides = array<i32>} : memref<128xi32, #tpu.memory_space<vmem>>, vector<16xi32>,
      %shift_right_logical3A_39 = arith.constant 18 : i32
      %shift_right_logical3A_40 = vector.broadcast %shift_right_logical3A_39 : i32 to vector<16xi32>
      %shift_right_logical3A_41 = arith.shrui %get3A_33, %shift_right_logical3A_40 : vector<16xi32>
      %swap3A_42 = arith.constant 16 : index
      %swap3A_43 = tpu.vector_load %arg10[%swap3A_42] {strides = array<i32>} : memref<128xi32, #tpu.memory_space<vmem>>, vector<16xi32>,
      tpu.vector_store %arg10[%swap3A_42], %shift_right_logical3A_41 {strides = array<i32>} : memref<128xi32, #tpu.memory_space<vmem>>, vector<16xi32>,
      %get3A_44 = arith.constant 32 : index
      %get3A_45 = tpu.vector_load %arg8[%get3A_44] {strides = array<i32>} : memref<128xi32, #tpu.memory_space<vmem>>, vector<16xi32>,
      %and3A_46 = arith.constant 262143 : i32
      %and3A_47 = vector.broadcast %and3A_46 : i32 to vector<16xi32>
      %and3A_48 = arith.andi %get3A_45, %and3A_47 : vector<16xi32>
      %swap3A_49 = arith.constant 32 : index
      %swap3A_50 = tpu.vector_load %arg9[%swap3A_49] {strides = array<i32>} : memref<128xi32, #tpu.memory_space<vmem>>, vector<16xi32>,
      tpu.vector_store %arg9[%swap3A_49], %and3A_48 {strides = array<i32>} : memref<128xi32, #tpu.memory_space<vmem>>, vector<16xi32>,
      %shift_right_logical3A_51 = arith.constant 18 : i32
      %shift_right_logical3A_52 = vector.broadcast %shift_right_logical3A_51 : i32 to vector<16xi32>
      %shift_right_logical3A_53 = arith.shrui %get3A_45, %shift_right_logical3A_52 : vector<16xi32>
      %swap3A_54 = arith.constant 32 : index
      %swap3A_55 = tpu.vector_load %arg10[%swap3A_54] {strides = array<i32>} : memref<128xi32, #tpu.memory_space<vmem>>, vector<16xi32>,
      tpu.vector_store %arg10[%swap3A_54], %shift_right_logical3A_53 {strides = array<i32>} : memref<128xi32, #tpu.memory_space<vmem>>, vector<16xi32>,
      %get3A_56 = arith.constant 48 : index
      %get3A_57 = tpu.vector_load %arg8[%get3A_56] {strides = array<i32>} : memref<128xi32, #tpu.memory_space<vmem>>, vector<16xi32>,
      %and3A_58 = arith.constant 262143 : i32
      %and3A_59 = vector.broadcast %and3A_58 : i32 to vector<16xi32>
      %and3A_60 = arith.andi %get3A_57, %and3A_59 : vector<16xi32>
      %swap3A_61 = arith.constant 48 : index
      %swap3A_62 = tpu.vector_load %arg9[%swap3A_61] {strides = array<i32>} : memref<128xi32, #tpu.memory_space<vmem>>, vector<16xi32>,
      tpu.vector_store %arg9[%swap3A_61], %and3A_60 {strides = array<i32>} : memref<128xi32, #tpu.memory_space<vmem>>, vector<16xi32>,
      %shift_right_logical3A_63 = arith.constant 18 : i32
      %shift_right_logical3A_64 = vector.broadcast %shift_right_logical3A_63 : i32 to vector<16xi32>
      %shift_right_logical3A_65 = arith.shrui %get3A_57, %shift_right_logical3A_64 : vector<16xi32>
      %swap3A_66 = arith.constant 48 : index
      %swap3A_67 = tpu.vector_load %arg10[%swap3A_66] {strides = array<i32>} : memref<128xi32, #tpu.memory_space<vmem>>, vector<16xi32>,
      tpu.vector_store %arg10[%swap3A_66], %shift_right_logical3A_65 {strides = array<i32>} : memref<128xi32, #tpu.memory_space<vmem>>, vector<16xi32>,
      %get3A_68 = arith.constant 64 : index
      %get3A_69 = tpu.vector_load %arg8[%get3A_68] {strides = array<i32>} : memref<128xi32, #tpu.memory_space<vmem>>, vector<16xi32>,
      %and3A_70 = arith.constant 262143 : i32
      %and3A_71 = vector.broadcast %and3A_70 : i32 to vector<16xi32>
      %and3A_72 = arith.andi %get3A_69, %and3A_71 : vector<16xi32>
      %swap3A_73 = arith.constant 64 : index
      %swap3A_74 = tpu.vector_load %arg9[%swap3A_73] {strides = array<i32>} : memref<128xi32, #tpu.memory_space<vmem>>, vector<16xi32>,
      tpu.vector_store %arg9[%swap3A_73], %and3A_72 {strides = array<i32>} : memref<128xi32, #tpu.memory_space<vmem>>, vector<16xi32>,
      %shift_right_logical3A_75 = arith.constant 18 : i32
      %shift_right_logical3A_76 = vector.broadcast %shift_right_logical3A_75 : i32 to vector<16xi32>
      %shift_right_logical3A_77 = arith.shrui %get3A_69, %shift_right_logical3A_76 : vector<16xi32>
      %swap3A_78 = arith.constant 64 : index
      %swap3A_79 = tpu.vector_load %arg10[%swap3A_78] {strides = array<i32>} : memref<128xi32, #tpu.memory_space<vmem>>, vector<16xi32>,
      tpu.vector_store %arg10[%swap3A_78], %shift_right_logical3A_77 {strides = array<i32>} : memref<128xi32, #tpu.memory_space<vmem>>, vector<16xi32>,
      %get3A_80 = arith.constant 80 : index
      %get3A_81 = tpu.vector_load %arg8[%get3A_80] {strides = array<i32>} : memref<128xi32, #tpu.memory_space<vmem>>, vector<16xi32>,
      %and3A_82 = arith.constant 262143 : i32
      %and3A_83 = vector.broadcast %and3A_82 : i32 to vector<16xi32>
      %and3A_84 = arith.andi %get3A_81, %and3A_83 : vector<16xi32>
      %swap3A_85 = arith.constant 80 : index
      %swap3A_86 = tpu.vector_load %arg9[%swap3A_85] {strides = array<i32>} : memref<128xi32, #tpu.memory_space<vmem>>, vector<16xi32>,
      tpu.vector_store %arg9[%swap3A_85], %and3A_84 {strides = array<i32>} : memref<128xi32, #tpu.memory_space<vmem>>, vector<16xi32>,
      %shift_right_logical3A_87 = arith.constant 18 : i32
      %shift_right_logical3A_88 = vector.broadcast %shift_right_logical3A_87 : i32 to vector<16xi32>
      %shift_right_logical3A_89 = arith.shrui %get3A_81, %shift_right_logical3A_88 : vector<16xi32>
      %swap3A_90 = arith.constant 80 : index
      %swap3A_91 = tpu.vector_load %arg10[%swap3A_90] {strides = array<i32>} : memref<128xi32, #tpu.memory_space<vmem>>, vector<16xi32>,
      tpu.vector_store %arg10[%swap3A_90], %shift_right_logical3A_89 {strides = array<i32>} : memref<128xi32, #tpu.memory_space<vmem>>, vector<16xi32>,
      %get3A_92 = arith.constant 96 : index
      %get3A_93 = tpu.vector_load %arg8[%get3A_92] {strides = array<i32>} : memref<128xi32, #tpu.memory_space<vmem>>, vector<16xi32>,
      %and3A_94 = arith.constant 262143 : i32
      %and3A_95 = vector.broadcast %and3A_94 : i32 to vector<16xi32>
      %and3A_96 = arith.andi %get3A_93, %and3A_95 : vector<16xi32>
      %swap3A_97 = arith.constant 96 : index
      %swap3A_98 = tpu.vector_load %arg9[%swap3A_97] {strides = array<i32>} : memref<128xi32, #tpu.memory_space<vmem>>, vector<16xi32>,
      tpu.vector_store %arg9[%swap3A_97], %and3A_96 {strides = array<i32>} : memref<128xi32, #tpu.memory_space<vmem>>, vector<16xi32>,
      %shift_right_logical3A_99 = arith.constant 18 : i32
      %shift_right_logical3A_100 = vector.broadcast %shift_right_logical3A_99 : i32 to vector<16xi32>
      %shift_right_logical3A_101 = arith.shrui %get3A_93, %shift_right_logical3A_100 : vector<16xi32>
      %swap3A_102 = arith.constant 96 : index
      %swap3A_103 = tpu.vector_load %arg10[%swap3A_102] {strides = array<i32>} : memref<128xi32, #tpu.memory_space<vmem>>, vector<16xi32>,
      tpu.vector_store %arg10[%swap3A_102], %shift_right_logical3A_101 {strides = array<i32>} : memref<128xi32, #tpu.memory_space<vmem>>, vector<16xi32>,
      %get3A_104 = arith.constant 112 : index
      %get3A_105 = tpu.vector_load %arg8[%get3A_104] {strides = array<i32>} : memref<128xi32, #tpu.memory_space<vmem>>, vector<16xi32>,
      %and3A_106 = arith.constant 262143 : i32
      %and3A_107 = vector.broadcast %and3A_106 : i32 to vector<16xi32>
      %and3A_108 = arith.andi %get3A_105, %and3A_107 : vector<16xi32>
      %swap3A_109 = arith.constant 112 : index
      %swap3A_110 = tpu.vector_load %arg9[%swap3A_109] {strides = array<i32>} : memref<128xi32, #tpu.memory_space<vmem>>, vector<16xi32>,
      tpu.vector_store %arg9[%swap3A_109], %and3A_108 {strides = array<i32>} : memref<128xi32, #tpu.memory_space<vmem>>, vector<16xi32>,
      %shift_right_logical3A_111 = arith.constant 18 : i32
      %shift_right_logical3A_112 = vector.broadcast %shift_right_logical3A_111 : i32 to vector<16xi32>
      %shift_right_logical3A_113 = arith.shrui %get3A_105, %shift_right_logical3A_112 : vector<16xi32>
      %swap3A_114 = arith.constant 112 : index
      %swap3A_115 = tpu.vector_load %arg10[%swap3A_114] {strides = array<i32>} : memref<128xi32, #tpu.memory_space<vmem>>, vector<16xi32>,
      tpu.vector_store %arg10[%swap3A_114], %shift_right_logical3A_113 {strides = array<i32>} : memref<128xi32, #tpu.memory_space<vmem>>, vector<16xi32>,
      %dma_start3A = arith.constant 0 : i32
      %dma_start3A_116 = arith.constant 0 : i32
      %dma_start3A_117 = tpu.memref_slice %arg4[%dma_start3A, %dma_start3A_116] : memref<10240x48xf32, #tpu.memory_space<hbm>> -> memref<10240x48xf32, #tpu.memory_space<hbm>>
      tpu.enqueue_indirect_dma source(%dma_start3A_117 : memref<10240x48xf32, #tpu.memory_space<hbm>>) target(%arg11 : memref<128x48xf32, #tpu.memory_space<vmem>>) offsets(%arg9 : memref<128xi32, #tpu.memory_space<vmem>>) semaphore(%arg13 : memref<!tpu.dma_semaphore, #tpu.memory_space<semaphore_mem>>)
      %dma_wait3A = arith.constant 0 : i32
      %dma_wait3A_118 = arith.constant 0 : i32
      %dma_wait3A_119 = tpu.memref_slice %arg4[%dma_wait3A, %dma_wait3A_118] : memref<10240x48xf32, #tpu.memory_space<hbm>> -> memref<10240x48xf32, #tpu.memory_space<hbm>>
      tpu.wait_indirect_dma semaphore(%arg13 : memref<!tpu.dma_semaphore, #tpu.memory_space<semaphore_mem>>) src(%dma_wait3A_119 : memref<10240x48xf32, #tpu.memory_space<hbm>>) dst(%arg11 : memref<128x48xf32, #tpu.memory_space<vmem>>)
      "tpu.region"() ({
        %run_scoped3A = tpu.sem_alloc : memref<!tpu.dma_semaphore, #tpu.memory_space<semaphore_mem>>
        %dma_start3A_120 = arith.constant 0 : i32
        %dma_start3A_121 = arith.constant 0 : i32
        %dma_start3A_122 = tpu.memref_slice %arg12[%dma_start3A_120, %dma_start3A_121] : memref<256x48xf32, #tpu.memory_space<vmem_shared>> -> memref<256x48xf32, #tpu.memory_space<vmem_shared>>
        tpu.enqueue_indirect_dma source(%arg11 : memref<128x48xf32, #tpu.memory_space<vmem>>) target(%dma_start3A_122 : memref<256x48xf32, #tpu.memory_space<vmem_shared>>) offsets(%arg10 : memref<128xi32, #tpu.memory_space<vmem>>) semaphore(%run_scoped3A : memref<!tpu.dma_semaphore, #tpu.memory_space<semaphore_mem>>) {add = true}
        %dma_wait3A_123 = arith.constant 0 : i32
        %dma_wait3A_124 = arith.constant 0 : i32
        %dma_wait3A_125 = tpu.memref_slice %arg12[%dma_wait3A_123, %dma_wait3A_124] : memref<256x48xf32, #tpu.memory_space<vmem_shared>> -> memref<256x48xf32, #tpu.memory_space<vmem_shared>>
        tpu.wait_indirect_dma semaphore(%run_scoped3A : memref<!tpu.dma_semaphore, #tpu.memory_space<semaphore_mem>>) src(%arg11 : memref<128x48xf32, #tpu.memory_space<vmem>>) dst(%dma_wait3A_125 : memref<256x48xf32, #tpu.memory_space<vmem_shared>>)
        tpu.yield
      }) : () -> ()
    }
    %barrier3A_17 = arith.constant 0 : index
    tpu.barrier barrier_id(%barrier3A_17)
    %mul3A_18 = arith.constant 16 : i32
    %mul3A_19 = arith.muli %arg1, %mul3A_18 : i32
    %mul3A_20 = arith.constant 16 : i32
    %mul3A_21 = arith.muli %arg1, %mul3A_20 : i32
    "tpu.region"() ({
      %run_scoped3A = tpu.sem_alloc : memref<!tpu.dma_semaphore, #tpu.memory_space<semaphore_mem>>
      %dma_start3A = arith.constant 0 : i32
      %dma_start3A_22 = arith.constant 0 : i32
      %dma_start3A_23 = tpu.memref_slice %arg6[%arg0, %dma_start3A, %dma_start3A_22] : memref<2x256x48xf32, #tpu.memory_space<hbm>> -> memref<1x256x48xf32, #tpu.memory_space<hbm>>
      %dma_start3A_24 = tpu.memref_squeeze %dma_start3A_23 : memref<1x256x48xf32, #tpu.memory_space<hbm>> -> memref<256x48xf32, #tpu.memory_space<hbm>>
      %dma_start3A_25 = arith.constant 0 : i32
      %dma_start3A_26 = tpu.memref_slice %dma_start3A_24[%mul3A_21, %dma_start3A_25] : memref<256x48xf32, #tpu.memory_space<hbm>> -> memref<16x48xf32, #tpu.memory_space<hbm>>
      %dma_start3A_27 = arith.constant 0 : i32
      %dma_start3A_28 = tpu.memref_slice %arg12[%mul3A_19, %dma_start3A_27] : memref<256x48xf32, #tpu.memory_space<vmem_shared>> -> memref<16x48xf32, #tpu.memory_space<vmem_shared>>
      tpu.enqueue_dma source(%dma_start3A_28 : memref<16x48xf32, #tpu.memory_space<vmem_shared>>) target(%dma_start3A_26 : memref<16x48xf32, #tpu.memory_space<hbm>>) target_semaphore(%run_scoped3A : memref<!tpu.dma_semaphore, #tpu.memory_space<semaphore_mem>>)
      %dma_wait3A = arith.constant 0 : i32
      %dma_wait3A_29 = arith.constant 0 : i32
      %dma_wait3A_30 = tpu.memref_slice %arg6[%arg0, %dma_wait3A, %dma_wait3A_29] : memref<2x256x48xf32, #tpu.memory_space<hbm>> -> memref<1x256x48xf32, #tpu.memory_space<hbm>>
      %dma_wait3A_31 = tpu.memref_squeeze %dma_wait3A_30 : memref<1x256x48xf32, #tpu.memory_space<hbm>> -> memref<256x48xf32, #tpu.memory_space<hbm>>
      %dma_wait3A_32 = arith.constant 0 : i32
      %dma_wait3A_33 = tpu.memref_slice %dma_wait3A_31[%mul3A_21, %dma_wait3A_32] : memref<256x48xf32, #tpu.memory_space<hbm>> -> memref<16x48xf32, #tpu.memory_space<hbm>>
      %dma_wait3A_34 = arith.constant 0 : i32
      %dma_wait3A_35 = tpu.memref_slice %arg12[%mul3A_19, %dma_wait3A_34] : memref<256x48xf32, #tpu.memory_space<vmem_shared>> -> memref<16x48xf32, #tpu.memory_space<vmem_shared>>
      tpu.wait_dma2 semaphore(%run_scoped3A : memref<!tpu.dma_semaphore, #tpu.memory_space<semaphore_mem>>) src(%dma_wait3A_35 : memref<16x48xf32, #tpu.memory_space<vmem_shared>>) dst(%dma_wait3A_33 : memref<16x48xf32, #tpu.memory_space<hbm>>)
      tpu.yield
    }) : () -> ()
    return
  }
}

#map = affine_map<(d0, d1) -> (0, 0, 0)>
#map1 = affine_map<(d0, d1) -> (0, 0)>
module attributes {stable_mosaic.version = 14 : i64} {
  func.func @k(%arg0: i32, %arg1: i32, %arg2: memref<32x79x128xi32, #tpu.memory_space<hbm>>, %arg3: memref<32x79x128xi32, #tpu.memory_space<hbm>>, %arg4: memref<10240x16xf32, #tpu.memory_space<hbm>>, %arg5: memref<640x16xf32, #tpu.memory_space<hbm>>, %arg6: memref<2x10240x16xf32, #tpu.memory_space<hbm>>, %arg7: memref<79x128xi32, #tpu.memory_space<vmem>>, %arg8: memref<79x128xi32, #tpu.memory_space<vmem>>, %arg9: memref<128x16xf32, #tpu.memory_space<vmem>>, %arg10: memref<128x16xf32, #tpu.memory_space<vmem>>, %arg11: memref<10240x16xf32, #tpu.memory_space<vmem_shared>>, %arg12: memref<!tpu.dma_semaphore, #tpu.memory_space<semaphore_mem>>, %arg13: memref<!tpu.dma_semaphore, #tpu.memory_space<semaphore_mem>>) attributes {dimension_semantics = [#tpu.dimension_semantics<core_parallel>, #tpu.dimension_semantics<subcore_parallel>], iteration_bounds = array<i64: 2, 16>, scalar_prefetch = 0 : i64, scratch_operands = 7 : i64, tpu.core_type = #tpu.core_type<sc_vector_subcore>, window_params = [{transform_indices = #map}, {transform_indices = #map}, {transform_indices = #map1}, {transform_indices = #map1}, {transform_indices = #map}]} {
    %mul3A = arith.constant 2 : i32
    %mul3A_0 = arith.muli %arg1, %mul3A : i32
    %add3A = arith.addi %mul3A_0, %arg0 : i32
    %mul3A_1 = arith.constant 640 : i32
    %mul3A_2 = arith.muli %arg1, %mul3A_1 : i32
    "tpu.region"() ({
      %run_scoped3A_25 = tpu.sem_alloc : memref<!tpu.dma_semaphore, #tpu.memory_space<semaphore_mem>>
      %dma_start3A_26 = arith.constant 0 : i32
      %dma_start3A_27 = tpu.memref_slice %arg11[%mul3A_2, %dma_start3A_26] : memref<10240x16xf32, #tpu.memory_space<vmem_shared>> -> memref<640x16xf32, #tpu.memory_space<vmem_shared>>
      tpu.enqueue_dma source(%arg5 : memref<640x16xf32, #tpu.memory_space<hbm>>) target(%dma_start3A_27 : memref<640x16xf32, #tpu.memory_space<vmem_shared>>) target_semaphore(%run_scoped3A_25 : memref<!tpu.dma_semaphore, #tpu.memory_space<semaphore_mem>>)
      %dma_wait3A_28 = arith.constant 0 : i32
      %dma_wait3A_29 = tpu.memref_slice %arg11[%mul3A_2, %dma_wait3A_28] : memref<10240x16xf32, #tpu.memory_space<vmem_shared>> -> memref<640x16xf32, #tpu.memory_space<vmem_shared>>
      tpu.wait_dma2 semaphore(%run_scoped3A_25 : memref<!tpu.dma_semaphore, #tpu.memory_space<semaphore_mem>>) src(%arg5 : memref<640x16xf32, #tpu.memory_space<hbm>>) dst(%dma_wait3A_29 : memref<640x16xf32, #tpu.memory_space<vmem_shared>>)
      tpu.yield
    }) : () -> ()
    "tpu.region"() ({
      %run_scoped3A_25 = tpu.sem_alloc : memref<!tpu.dma_semaphore, #tpu.memory_space<semaphore_mem>>
      %dma_start3A_26 = arith.constant 0 : i32
      %dma_start3A_27 = arith.constant 0 : i32
      %dma_start3A_28 = tpu.memref_slice %arg2[%add3A, %dma_start3A_26, %dma_start3A_27] : memref<32x79x128xi32, #tpu.memory_space<hbm>> -> memref<1x79x128xi32, #tpu.memory_space<hbm>>
      %dma_start3A_29 = tpu.memref_squeeze %dma_start3A_28 : memref<1x79x128xi32, #tpu.memory_space<hbm>> -> memref<79x128xi32, #tpu.memory_space<hbm>>
      %dma_start3A_30 = arith.constant 0 : i32
      %dma_start3A_31 = arith.constant 0 : i32
      %dma_start3A_32 = tpu.memref_slice %arg2[%add3A, %dma_start3A_30, %dma_start3A_31] : memref<32x79x128xi32, #tpu.memory_space<hbm>> -> memref<1x79x128xi32, #tpu.memory_space<hbm>>
      %dma_start3A_33 = tpu.memref_squeeze %dma_start3A_32 : memref<1x79x128xi32, #tpu.memory_space<hbm>> -> memref<79x128xi32, #tpu.memory_space<hbm>>
      tpu.enqueue_dma source(%dma_start3A_33 : memref<79x128xi32, #tpu.memory_space<hbm>>) target(%arg7 : memref<79x128xi32, #tpu.memory_space<vmem>>) target_semaphore(%run_scoped3A_25 : memref<!tpu.dma_semaphore, #tpu.memory_space<semaphore_mem>>)
      %dma_wait3A_34 = arith.constant 0 : i32
      %dma_wait3A_35 = arith.constant 0 : i32
      %dma_wait3A_36 = tpu.memref_slice %arg2[%add3A, %dma_wait3A_34, %dma_wait3A_35] : memref<32x79x128xi32, #tpu.memory_space<hbm>> -> memref<1x79x128xi32, #tpu.memory_space<hbm>>
      %dma_wait3A_37 = tpu.memref_squeeze %dma_wait3A_36 : memref<1x79x128xi32, #tpu.memory_space<hbm>> -> memref<79x128xi32, #tpu.memory_space<hbm>>
      %dma_wait3A_38 = arith.constant 0 : i32
      %dma_wait3A_39 = arith.constant 0 : i32
      %dma_wait3A_40 = tpu.memref_slice %arg2[%add3A, %dma_wait3A_38, %dma_wait3A_39] : memref<32x79x128xi32, #tpu.memory_space<hbm>> -> memref<1x79x128xi32, #tpu.memory_space<hbm>>
      %dma_wait3A_41 = tpu.memref_squeeze %dma_wait3A_40 : memref<1x79x128xi32, #tpu.memory_space<hbm>> -> memref<79x128xi32, #tpu.memory_space<hbm>>
      tpu.wait_dma2 semaphore(%run_scoped3A_25 : memref<!tpu.dma_semaphore, #tpu.memory_space<semaphore_mem>>) src(%dma_wait3A_41 : memref<79x128xi32, #tpu.memory_space<hbm>>) dst(%arg7 : memref<79x128xi32, #tpu.memory_space<vmem>>)
      tpu.yield
    }) : () -> ()
    "tpu.region"() ({
      %run_scoped3A_25 = tpu.sem_alloc : memref<!tpu.dma_semaphore, #tpu.memory_space<semaphore_mem>>
      %dma_start3A_26 = arith.constant 0 : i32
      %dma_start3A_27 = arith.constant 0 : i32
      %dma_start3A_28 = tpu.memref_slice %arg3[%add3A, %dma_start3A_26, %dma_start3A_27] : memref<32x79x128xi32, #tpu.memory_space<hbm>> -> memref<1x79x128xi32, #tpu.memory_space<hbm>>
      %dma_start3A_29 = tpu.memref_squeeze %dma_start3A_28 : memref<1x79x128xi32, #tpu.memory_space<hbm>> -> memref<79x128xi32, #tpu.memory_space<hbm>>
      %dma_start3A_30 = arith.constant 0 : i32
      %dma_start3A_31 = arith.constant 0 : i32
      %dma_start3A_32 = tpu.memref_slice %arg3[%add3A, %dma_start3A_30, %dma_start3A_31] : memref<32x79x128xi32, #tpu.memory_space<hbm>> -> memref<1x79x128xi32, #tpu.memory_space<hbm>>
      %dma_start3A_33 = tpu.memref_squeeze %dma_start3A_32 : memref<1x79x128xi32, #tpu.memory_space<hbm>> -> memref<79x128xi32, #tpu.memory_space<hbm>>
      tpu.enqueue_dma source(%dma_start3A_33 : memref<79x128xi32, #tpu.memory_space<hbm>>) target(%arg8 : memref<79x128xi32, #tpu.memory_space<vmem>>) target_semaphore(%run_scoped3A_25 : memref<!tpu.dma_semaphore, #tpu.memory_space<semaphore_mem>>)
      %dma_wait3A_34 = arith.constant 0 : i32
      %dma_wait3A_35 = arith.constant 0 : i32
      %dma_wait3A_36 = tpu.memref_slice %arg3[%add3A, %dma_wait3A_34, %dma_wait3A_35] : memref<32x79x128xi32, #tpu.memory_space<hbm>> -> memref<1x79x128xi32, #tpu.memory_space<hbm>>
      %dma_wait3A_37 = tpu.memref_squeeze %dma_wait3A_36 : memref<1x79x128xi32, #tpu.memory_space<hbm>> -> memref<79x128xi32, #tpu.memory_space<hbm>>
      %dma_wait3A_38 = arith.constant 0 : i32
      %dma_wait3A_39 = arith.constant 0 : i32
      %dma_wait3A_40 = tpu.memref_slice %arg3[%add3A, %dma_wait3A_38, %dma_wait3A_39] : memref<32x79x128xi32, #tpu.memory_space<hbm>> -> memref<1x79x128xi32, #tpu.memory_space<hbm>>
      %dma_wait3A_41 = tpu.memref_squeeze %dma_wait3A_40 : memref<1x79x128xi32, #tpu.memory_space<hbm>> -> memref<79x128xi32, #tpu.memory_space<hbm>>
      tpu.wait_dma2 semaphore(%run_scoped3A_25 : memref<!tpu.dma_semaphore, #tpu.memory_space<semaphore_mem>>) src(%dma_wait3A_41 : memref<79x128xi32, #tpu.memory_space<hbm>>) dst(%arg8 : memref<79x128xi32, #tpu.memory_space<vmem>>)
      tpu.yield
    }) : () -> ()
    %barrier3A = arith.constant 0 : index
    tpu.barrier barrier_id(%barrier3A)
    %dma_start3A = arith.constant 0 : i32
    %dma_start3A_3 = arith.constant 0 : i32
    %dma_start3A_4 = tpu.memref_slice %arg7[%dma_start3A, %dma_start3A_3] : memref<79x128xi32, #tpu.memory_space<vmem>> -> memref<1x128xi32, #tpu.memory_space<vmem>>
    %dma_start3A_5 = tpu.memref_squeeze %dma_start3A_4 : memref<1x128xi32, #tpu.memory_space<vmem>> -> memref<128xi32, #tpu.memory_space<vmem>>
    %dma_start3A_6 = arith.constant 0 : i32
    %dma_start3A_7 = arith.constant 0 : i32
    %dma_start3A_8 = tpu.memref_slice %arg4[%dma_start3A_6, %dma_start3A_7] : memref<10240x16xf32, #tpu.memory_space<hbm>> -> memref<10240x16xf32, #tpu.memory_space<hbm>>
    tpu.enqueue_indirect_dma source(%dma_start3A_8 : memref<10240x16xf32, #tpu.memory_space<hbm>>) target(%arg9 : memref<128x16xf32, #tpu.memory_space<vmem>>) offsets(%dma_start3A_5 : memref<128xi32, #tpu.memory_space<vmem>>) semaphore(%arg12 : memref<!tpu.dma_semaphore, #tpu.memory_space<semaphore_mem>>)
    %scan3A = arith.constant 0 : i32
    %scan3A_9 = arith.constant 0 : i32
    %scan3A_10 = arith.constant 39 : i32
    %scan3A_11 = arith.addi %scan3A_9, %scan3A_10 : i32
    %scan3A_12 = arith.constant 1 : i32
    scf.for %scan3A_25 = %scan3A_9 to %scan3A_11 step %scan3A_12  : i32 {
      %mul3A_26 = arith.constant 2 : i32
      %mul3A_27 = arith.muli %mul3A_26, %scan3A_25 : i32
      %add3A_28 = arith.constant 1 : i32
      %add3A_29 = arith.addi %mul3A_27, %add3A_28 : i32
      %dma_start3A_30 = arith.constant 0 : i32
      %dma_start3A_31 = tpu.memref_slice %arg7[%add3A_29, %dma_start3A_30] : memref<79x128xi32, #tpu.memory_space<vmem>> -> memref<1x128xi32, #tpu.memory_space<vmem>>
      %dma_start3A_32 = tpu.memref_squeeze %dma_start3A_31 : memref<1x128xi32, #tpu.memory_space<vmem>> -> memref<128xi32, #tpu.memory_space<vmem>>
      %dma_start3A_33 = arith.constant 0 : i32
      %dma_start3A_34 = arith.constant 0 : i32
      %dma_start3A_35 = tpu.memref_slice %arg4[%dma_start3A_33, %dma_start3A_34] : memref<10240x16xf32, #tpu.memory_space<hbm>> -> memref<10240x16xf32, #tpu.memory_space<hbm>>
      tpu.enqueue_indirect_dma source(%dma_start3A_35 : memref<10240x16xf32, #tpu.memory_space<hbm>>) target(%arg10 : memref<128x16xf32, #tpu.memory_space<vmem>>) offsets(%dma_start3A_32 : memref<128xi32, #tpu.memory_space<vmem>>) semaphore(%arg13 : memref<!tpu.dma_semaphore, #tpu.memory_space<semaphore_mem>>)
      %dma_wait3A_36 = arith.constant 0 : i32
      %dma_wait3A_37 = tpu.memref_slice %arg7[%mul3A_27, %dma_wait3A_36] : memref<79x128xi32, #tpu.memory_space<vmem>> -> memref<1x128xi32, #tpu.memory_space<vmem>>
      %dma_wait3A_38 = tpu.memref_squeeze %dma_wait3A_37 : memref<1x128xi32, #tpu.memory_space<vmem>> -> memref<128xi32, #tpu.memory_space<vmem>>
      %dma_wait3A_39 = arith.constant 0 : i32
      %dma_wait3A_40 = arith.constant 0 : i32
      %dma_wait3A_41 = tpu.memref_slice %arg4[%dma_wait3A_39, %dma_wait3A_40] : memref<10240x16xf32, #tpu.memory_space<hbm>> -> memref<10240x16xf32, #tpu.memory_space<hbm>>
      tpu.wait_indirect_dma semaphore(%arg12 : memref<!tpu.dma_semaphore, #tpu.memory_space<semaphore_mem>>) src(%dma_wait3A_41 : memref<10240x16xf32, #tpu.memory_space<hbm>>) dst(%arg9 : memref<128x16xf32, #tpu.memory_space<vmem>>)
      "tpu.region"() ({
        %run_scoped3A_60 = tpu.sem_alloc : memref<!tpu.dma_semaphore, #tpu.memory_space<semaphore_mem>>
        %dma_start3A_61 = arith.constant 0 : i32
        %dma_start3A_62 = tpu.memref_slice %arg8[%mul3A_27, %dma_start3A_61] : memref<79x128xi32, #tpu.memory_space<vmem>> -> memref<1x128xi32, #tpu.memory_space<vmem>>
        %dma_start3A_63 = tpu.memref_squeeze %dma_start3A_62 : memref<1x128xi32, #tpu.memory_space<vmem>> -> memref<128xi32, #tpu.memory_space<vmem>>
        %dma_start3A_64 = arith.constant 0 : i32
        %dma_start3A_65 = arith.constant 0 : i32
        %dma_start3A_66 = tpu.memref_slice %arg11[%dma_start3A_64, %dma_start3A_65] : memref<10240x16xf32, #tpu.memory_space<vmem_shared>> -> memref<10240x16xf32, #tpu.memory_space<vmem_shared>>
        tpu.enqueue_indirect_dma source(%arg9 : memref<128x16xf32, #tpu.memory_space<vmem>>) target(%dma_start3A_66 : memref<10240x16xf32, #tpu.memory_space<vmem_shared>>) offsets(%dma_start3A_63 : memref<128xi32, #tpu.memory_space<vmem>>) semaphore(%run_scoped3A_60 : memref<!tpu.dma_semaphore, #tpu.memory_space<semaphore_mem>>) {add = true}
        %dma_wait3A_67 = arith.constant 0 : i32
        %dma_wait3A_68 = tpu.memref_slice %arg8[%mul3A_27, %dma_wait3A_67] : memref<79x128xi32, #tpu.memory_space<vmem>> -> memref<1x128xi32, #tpu.memory_space<vmem>>
        %dma_wait3A_69 = tpu.memref_squeeze %dma_wait3A_68 : memref<1x128xi32, #tpu.memory_space<vmem>> -> memref<128xi32, #tpu.memory_space<vmem>>
        %dma_wait3A_70 = arith.constant 0 : i32
        %dma_wait3A_71 = arith.constant 0 : i32
        %dma_wait3A_72 = tpu.memref_slice %arg11[%dma_wait3A_70, %dma_wait3A_71] : memref<10240x16xf32, #tpu.memory_space<vmem_shared>> -> memref<10240x16xf32, #tpu.memory_space<vmem_shared>>
        tpu.wait_indirect_dma semaphore(%run_scoped3A_60 : memref<!tpu.dma_semaphore, #tpu.memory_space<semaphore_mem>>) src(%arg9 : memref<128x16xf32, #tpu.memory_space<vmem>>) dst(%dma_wait3A_72 : memref<10240x16xf32, #tpu.memory_space<vmem_shared>>)
        tpu.yield
      }) : () -> ()
      %add3A_42 = arith.constant 2 : i32
      %add3A_43 = arith.addi %mul3A_27, %add3A_42 : i32
      %dma_start3A_44 = arith.constant 0 : i32
      %dma_start3A_45 = tpu.memref_slice %arg7[%add3A_43, %dma_start3A_44] : memref<79x128xi32, #tpu.memory_space<vmem>> -> memref<1x128xi32, #tpu.memory_space<vmem>>
      %dma_start3A_46 = tpu.memref_squeeze %dma_start3A_45 : memref<1x128xi32, #tpu.memory_space<vmem>> -> memref<128xi32, #tpu.memory_space<vmem>>
      %dma_start3A_47 = arith.constant 0 : i32
      %dma_start3A_48 = arith.constant 0 : i32
      %dma_start3A_49 = tpu.memref_slice %arg4[%dma_start3A_47, %dma_start3A_48] : memref<10240x16xf32, #tpu.memory_space<hbm>> -> memref<10240x16xf32, #tpu.memory_space<hbm>>
      tpu.enqueue_indirect_dma source(%dma_start3A_49 : memref<10240x16xf32, #tpu.memory_space<hbm>>) target(%arg9 : memref<128x16xf32, #tpu.memory_space<vmem>>) offsets(%dma_start3A_46 : memref<128xi32, #tpu.memory_space<vmem>>) semaphore(%arg12 : memref<!tpu.dma_semaphore, #tpu.memory_space<semaphore_mem>>)
      %add3A_50 = arith.constant 1 : i32
      %add3A_51 = arith.addi %mul3A_27, %add3A_50 : i32
      %dma_wait3A_52 = arith.constant 0 : i32
      %dma_wait3A_53 = tpu.memref_slice %arg7[%add3A_51, %dma_wait3A_52] : memref<79x128xi32, #tpu.memory_space<vmem>> -> memref<1x128xi32, #tpu.memory_space<vmem>>
      %dma_wait3A_54 = tpu.memref_squeeze %dma_wait3A_53 : memref<1x128xi32, #tpu.memory_space<vmem>> -> memref<128xi32, #tpu.memory_space<vmem>>
      %dma_wait3A_55 = arith.constant 0 : i32
      %dma_wait3A_56 = arith.constant 0 : i32
      %dma_wait3A_57 = tpu.memref_slice %arg4[%dma_wait3A_55, %dma_wait3A_56] : memref<10240x16xf32, #tpu.memory_space<hbm>> -> memref<10240x16xf32, #tpu.memory_space<hbm>>
      tpu.wait_indirect_dma semaphore(%arg13 : memref<!tpu.dma_semaphore, #tpu.memory_space<semaphore_mem>>) src(%dma_wait3A_57 : memref<10240x16xf32, #tpu.memory_space<hbm>>) dst(%arg10 : memref<128x16xf32, #tpu.memory_space<vmem>>)
      %add3A_58 = arith.constant 1 : i32
      %add3A_59 = arith.addi %mul3A_27, %add3A_58 : i32
      "tpu.region"() ({
        %run_scoped3A_60 = tpu.sem_alloc : memref<!tpu.dma_semaphore, #tpu.memory_space<semaphore_mem>>
        %dma_start3A_61 = arith.constant 0 : i32
        %dma_start3A_62 = tpu.memref_slice %arg8[%add3A_59, %dma_start3A_61] : memref<79x128xi32, #tpu.memory_space<vmem>> -> memref<1x128xi32, #tpu.memory_space<vmem>>
        %dma_start3A_63 = tpu.memref_squeeze %dma_start3A_62 : memref<1x128xi32, #tpu.memory_space<vmem>> -> memref<128xi32, #tpu.memory_space<vmem>>
        %dma_start3A_64 = arith.constant 0 : i32
        %dma_start3A_65 = arith.constant 0 : i32
        %dma_start3A_66 = tpu.memref_slice %arg11[%dma_start3A_64, %dma_start3A_65] : memref<10240x16xf32, #tpu.memory_space<vmem_shared>> -> memref<10240x16xf32, #tpu.memory_space<vmem_shared>>
        tpu.enqueue_indirect_dma source(%arg10 : memref<128x16xf32, #tpu.memory_space<vmem>>) target(%dma_start3A_66 : memref<10240x16xf32, #tpu.memory_space<vmem_shared>>) offsets(%dma_start3A_63 : memref<128xi32, #tpu.memory_space<vmem>>) semaphore(%run_scoped3A_60 : memref<!tpu.dma_semaphore, #tpu.memory_space<semaphore_mem>>) {add = true}
        %dma_wait3A_67 = arith.constant 0 : i32
        %dma_wait3A_68 = tpu.memref_slice %arg8[%add3A_59, %dma_wait3A_67] : memref<79x128xi32, #tpu.memory_space<vmem>> -> memref<1x128xi32, #tpu.memory_space<vmem>>
        %dma_wait3A_69 = tpu.memref_squeeze %dma_wait3A_68 : memref<1x128xi32, #tpu.memory_space<vmem>> -> memref<128xi32, #tpu.memory_space<vmem>>
        %dma_wait3A_70 = arith.constant 0 : i32
        %dma_wait3A_71 = arith.constant 0 : i32
        %dma_wait3A_72 = tpu.memref_slice %arg11[%dma_wait3A_70, %dma_wait3A_71] : memref<10240x16xf32, #tpu.memory_space<vmem_shared>> -> memref<10240x16xf32, #tpu.memory_space<vmem_shared>>
        tpu.wait_indirect_dma semaphore(%run_scoped3A_60 : memref<!tpu.dma_semaphore, #tpu.memory_space<semaphore_mem>>) src(%arg10 : memref<128x16xf32, #tpu.memory_space<vmem>>) dst(%dma_wait3A_72 : memref<10240x16xf32, #tpu.memory_space<vmem_shared>>)
        tpu.yield
      }) : () -> ()
    }
    %scan3A_13 = arith.constant 39 : i32
    %dma_wait3A = arith.constant 78 : i32
    %dma_wait3A_14 = arith.constant 0 : i32
    %dma_wait3A_15 = tpu.memref_slice %arg7[%dma_wait3A, %dma_wait3A_14] : memref<79x128xi32, #tpu.memory_space<vmem>> -> memref<1x128xi32, #tpu.memory_space<vmem>>
    %dma_wait3A_16 = tpu.memref_squeeze %dma_wait3A_15 : memref<1x128xi32, #tpu.memory_space<vmem>> -> memref<128xi32, #tpu.memory_space<vmem>>
    %dma_wait3A_17 = arith.constant 0 : i32
    %dma_wait3A_18 = arith.constant 0 : i32
    %dma_wait3A_19 = tpu.memref_slice %arg4[%dma_wait3A_17, %dma_wait3A_18] : memref<10240x16xf32, #tpu.memory_space<hbm>> -> memref<10240x16xf32, #tpu.memory_space<hbm>>
    tpu.wait_indirect_dma semaphore(%arg12 : memref<!tpu.dma_semaphore, #tpu.memory_space<semaphore_mem>>) src(%dma_wait3A_19 : memref<10240x16xf32, #tpu.memory_space<hbm>>) dst(%arg9 : memref<128x16xf32, #tpu.memory_space<vmem>>)
    %run_scoped3A = arith.constant 78 : i32
    "tpu.region"() ({
      %run_scoped3A_25 = tpu.sem_alloc : memref<!tpu.dma_semaphore, #tpu.memory_space<semaphore_mem>>
      %dma_start3A_26 = arith.constant 0 : i32
      %dma_start3A_27 = tpu.memref_slice %arg8[%run_scoped3A, %dma_start3A_26] : memref<79x128xi32, #tpu.memory_space<vmem>> -> memref<1x128xi32, #tpu.memory_space<vmem>>
      %dma_start3A_28 = tpu.memref_squeeze %dma_start3A_27 : memref<1x128xi32, #tpu.memory_space<vmem>> -> memref<128xi32, #tpu.memory_space<vmem>>
      %dma_start3A_29 = arith.constant 0 : i32
      %dma_start3A_30 = arith.constant 0 : i32
      %dma_start3A_31 = tpu.memref_slice %arg11[%dma_start3A_29, %dma_start3A_30] : memref<10240x16xf32, #tpu.memory_space<vmem_shared>> -> memref<10240x16xf32, #tpu.memory_space<vmem_shared>>
      tpu.enqueue_indirect_dma source(%arg9 : memref<128x16xf32, #tpu.memory_space<vmem>>) target(%dma_start3A_31 : memref<10240x16xf32, #tpu.memory_space<vmem_shared>>) offsets(%dma_start3A_28 : memref<128xi32, #tpu.memory_space<vmem>>) semaphore(%run_scoped3A_25 : memref<!tpu.dma_semaphore, #tpu.memory_space<semaphore_mem>>) {add = true}
      %dma_wait3A_32 = arith.constant 0 : i32
      %dma_wait3A_33 = tpu.memref_slice %arg8[%run_scoped3A, %dma_wait3A_32] : memref<79x128xi32, #tpu.memory_space<vmem>> -> memref<1x128xi32, #tpu.memory_space<vmem>>
      %dma_wait3A_34 = tpu.memref_squeeze %dma_wait3A_33 : memref<1x128xi32, #tpu.memory_space<vmem>> -> memref<128xi32, #tpu.memory_space<vmem>>
      %dma_wait3A_35 = arith.constant 0 : i32
      %dma_wait3A_36 = arith.constant 0 : i32
      %dma_wait3A_37 = tpu.memref_slice %arg11[%dma_wait3A_35, %dma_wait3A_36] : memref<10240x16xf32, #tpu.memory_space<vmem_shared>> -> memref<10240x16xf32, #tpu.memory_space<vmem_shared>>
      tpu.wait_indirect_dma semaphore(%run_scoped3A_25 : memref<!tpu.dma_semaphore, #tpu.memory_space<semaphore_mem>>) src(%arg9 : memref<128x16xf32, #tpu.memory_space<vmem>>) dst(%dma_wait3A_37 : memref<10240x16xf32, #tpu.memory_space<vmem_shared>>)
      tpu.yield
    }) : () -> ()
    %barrier3A_20 = arith.constant 0 : index
    tpu.barrier barrier_id(%barrier3A_20)
    %mul3A_21 = arith.constant 640 : i32
    %mul3A_22 = arith.muli %arg1, %mul3A_21 : i32
    %mul3A_23 = arith.constant 640 : i32
    %mul3A_24 = arith.muli %arg1, %mul3A_23 : i32
    "tpu.region"() ({
      %run_scoped3A_25 = tpu.sem_alloc : memref<!tpu.dma_semaphore, #tpu.memory_space<semaphore_mem>>
      %dma_start3A_26 = arith.constant 0 : i32
      %dma_start3A_27 = arith.constant 0 : i32
      %dma_start3A_28 = tpu.memref_slice %arg6[%arg0, %dma_start3A_26, %dma_start3A_27] : memref<2x10240x16xf32, #tpu.memory_space<hbm>> -> memref<1x10240x16xf32, #tpu.memory_space<hbm>>
      %dma_start3A_29 = tpu.memref_squeeze %dma_start3A_28 : memref<1x10240x16xf32, #tpu.memory_space<hbm>> -> memref<10240x16xf32, #tpu.memory_space<hbm>>
      %dma_start3A_30 = arith.constant 0 : i32
      %dma_start3A_31 = tpu.memref_slice %dma_start3A_29[%mul3A_24, %dma_start3A_30] : memref<10240x16xf32, #tpu.memory_space<hbm>> -> memref<640x16xf32, #tpu.memory_space<hbm>>
      %dma_start3A_32 = arith.constant 0 : i32
      %dma_start3A_33 = tpu.memref_slice %arg11[%mul3A_22, %dma_start3A_32] : memref<10240x16xf32, #tpu.memory_space<vmem_shared>> -> memref<640x16xf32, #tpu.memory_space<vmem_shared>>
      tpu.enqueue_dma source(%dma_start3A_33 : memref<640x16xf32, #tpu.memory_space<vmem_shared>>) target(%dma_start3A_31 : memref<640x16xf32, #tpu.memory_space<hbm>>) target_semaphore(%run_scoped3A_25 : memref<!tpu.dma_semaphore, #tpu.memory_space<semaphore_mem>>)
      %dma_wait3A_34 = arith.constant 0 : i32
      %dma_wait3A_35 = arith.constant 0 : i32
      %dma_wait3A_36 = tpu.memref_slice %arg6[%arg0, %dma_wait3A_34, %dma_wait3A_35] : memref<2x10240x16xf32, #tpu.memory_space<hbm>> -> memref<1x10240x16xf32, #tpu.memory_space<hbm>>
      %dma_wait3A_37 = tpu.memref_squeeze %dma_wait3A_36 : memref<1x10240x16xf32, #tpu.memory_space<hbm>> -> memref<10240x16xf32, #tpu.memory_space<hbm>>
      %dma_wait3A_38 = arith.constant 0 : i32
      %dma_wait3A_39 = tpu.memref_slice %dma_wait3A_37[%mul3A_24, %dma_wait3A_38] : memref<10240x16xf32, #tpu.memory_space<hbm>> -> memref<640x16xf32, #tpu.memory_space<hbm>>
      %dma_wait3A_40 = arith.constant 0 : i32
      %dma_wait3A_41 = tpu.memref_slice %arg11[%mul3A_22, %dma_wait3A_40] : memref<10240x16xf32, #tpu.memory_space<vmem_shared>> -> memref<640x16xf32, #tpu.memory_space<vmem_shared>>
      tpu.wait_dma2 semaphore(%run_scoped3A_25 : memref<!tpu.dma_semaphore, #tpu.memory_space<semaphore_mem>>) src(%dma_wait3A_41 : memref<640x16xf32, #tpu.memory_space<vmem_shared>>) dst(%dma_wait3A_39 : memref<640x16xf32, #tpu.memory_space<hbm>>)
      tpu.yield
    }) : () -> ()
    return
  }
}

#map = affine_map<(d0, d1) -> (0, 0)>
#map1 = affine_map<(d0, d1) -> (0)>
#map2 = affine_map<(d0, d1) -> (0, 0, 0)>
module attributes {stable_mosaic.version = 14 : i64} {
  func.func @k(%arg0: i32, %arg1: i32, %arg2: memref<32x10112xi32, #tpu.memory_space<hbm>>, %arg3: memref<32x10112xi32, #tpu.memory_space<hbm>>, %arg4: memref<10240xi32, #tpu.memory_space<hbm>>, %arg5: memref<10240xf32, #tpu.memory_space<hbm>>, %arg6: memref<2x10240xf32, #tpu.memory_space<hbm>>, %arg7: memref<32x80x128xi32, #tpu.memory_space<hbm>>, %arg8: memref<32x16xi32, #tpu.memory_space<hbm>>, %arg9: memref<10112xi32, #tpu.memory_space<vmem>>, %arg10: memref<10112xi32, #tpu.memory_space<vmem>>, %arg11: memref<10240xi32, #tpu.memory_space<vmem>>, %arg12: memref<10240xi32, #tpu.memory_space<vmem>>, %arg13: memref<16xi32, #tpu.memory_space<vmem>>, %arg14: memref<10240xf32, #tpu.memory_space<vmem>>, %arg15: memref<640xf32, #tpu.memory_space<vmem>>, %arg16: memref<640xf32, #tpu.memory_space<vmem>>, %arg17: memref<16x10240xf32, #tpu.memory_space<vmem_shared>>) attributes {dimension_semantics = [#tpu.dimension_semantics<core_parallel>, #tpu.dimension_semantics<subcore_parallel>], iteration_bounds = array<i64: 2, 16>, scalar_prefetch = 0 : i64, scratch_operands = 9 : i64, tpu.core_type = #tpu.core_type<sc_vector_subcore>, window_params = [{transform_indices = #map}, {transform_indices = #map}, {transform_indices = #map1}, {transform_indices = #map1}, {transform_indices = #map}, {transform_indices = #map2}, {transform_indices = #map}]} {
    %mul3A = arith.constant 2 : i32
    %mul3A_0 = arith.muli %arg1, %mul3A : i32
    %add3A = arith.addi %mul3A_0, %arg0 : i32
    "tpu.region"() ({
      %run_scoped3A_67 = tpu.sem_alloc : memref<!tpu.dma_semaphore, #tpu.memory_space<semaphore_mem>>
      tpu.enqueue_dma source(%arg5 : memref<10240xf32, #tpu.memory_space<hbm>>) target(%arg14 : memref<10240xf32, #tpu.memory_space<vmem>>) target_semaphore(%run_scoped3A_67 : memref<!tpu.dma_semaphore, #tpu.memory_space<semaphore_mem>>)
      tpu.wait_dma2 semaphore(%run_scoped3A_67 : memref<!tpu.dma_semaphore, #tpu.memory_space<semaphore_mem>>) src(%arg5 : memref<10240xf32, #tpu.memory_space<hbm>>) dst(%arg14 : memref<10240xf32, #tpu.memory_space<vmem>>)
      tpu.yield
    }) : () -> ()
    "tpu.region"() ({
      %run_scoped3A_67 = tpu.sem_alloc : memref<!tpu.dma_semaphore, #tpu.memory_space<semaphore_mem>>
      %dma_start3A = arith.constant 0 : i32
      %dma_start3A_68 = tpu.memref_slice %arg2[%add3A, %dma_start3A] : memref<32x10112xi32, #tpu.memory_space<hbm>> -> memref<1x10112xi32, #tpu.memory_space<hbm>>
      %dma_start3A_69 = tpu.memref_squeeze %dma_start3A_68 : memref<1x10112xi32, #tpu.memory_space<hbm>> -> memref<10112xi32, #tpu.memory_space<hbm>>
      %dma_start3A_70 = arith.constant 0 : i32
      %dma_start3A_71 = tpu.memref_slice %arg2[%add3A, %dma_start3A_70] : memref<32x10112xi32, #tpu.memory_space<hbm>> -> memref<1x10112xi32, #tpu.memory_space<hbm>>
      %dma_start3A_72 = tpu.memref_squeeze %dma_start3A_71 : memref<1x10112xi32, #tpu.memory_space<hbm>> -> memref<10112xi32, #tpu.memory_space<hbm>>
      tpu.enqueue_dma source(%dma_start3A_72 : memref<10112xi32, #tpu.memory_space<hbm>>) target(%arg9 : memref<10112xi32, #tpu.memory_space<vmem>>) target_semaphore(%run_scoped3A_67 : memref<!tpu.dma_semaphore, #tpu.memory_space<semaphore_mem>>)
      %dma_wait3A = arith.constant 0 : i32
      %dma_wait3A_73 = tpu.memref_slice %arg2[%add3A, %dma_wait3A] : memref<32x10112xi32, #tpu.memory_space<hbm>> -> memref<1x10112xi32, #tpu.memory_space<hbm>>
      %dma_wait3A_74 = tpu.memref_squeeze %dma_wait3A_73 : memref<1x10112xi32, #tpu.memory_space<hbm>> -> memref<10112xi32, #tpu.memory_space<hbm>>
      %dma_wait3A_75 = arith.constant 0 : i32
      %dma_wait3A_76 = tpu.memref_slice %arg2[%add3A, %dma_wait3A_75] : memref<32x10112xi32, #tpu.memory_space<hbm>> -> memref<1x10112xi32, #tpu.memory_space<hbm>>
      %dma_wait3A_77 = tpu.memref_squeeze %dma_wait3A_76 : memref<1x10112xi32, #tpu.memory_space<hbm>> -> memref<10112xi32, #tpu.memory_space<hbm>>
      tpu.wait_dma2 semaphore(%run_scoped3A_67 : memref<!tpu.dma_semaphore, #tpu.memory_space<semaphore_mem>>) src(%dma_wait3A_77 : memref<10112xi32, #tpu.memory_space<hbm>>) dst(%arg9 : memref<10112xi32, #tpu.memory_space<vmem>>)
      tpu.yield
    }) : () -> ()
    "tpu.region"() ({
      %run_scoped3A_67 = tpu.sem_alloc : memref<!tpu.dma_semaphore, #tpu.memory_space<semaphore_mem>>
      %dma_start3A = arith.constant 0 : i32
      %dma_start3A_68 = tpu.memref_slice %arg3[%add3A, %dma_start3A] : memref<32x10112xi32, #tpu.memory_space<hbm>> -> memref<1x10112xi32, #tpu.memory_space<hbm>>
      %dma_start3A_69 = tpu.memref_squeeze %dma_start3A_68 : memref<1x10112xi32, #tpu.memory_space<hbm>> -> memref<10112xi32, #tpu.memory_space<hbm>>
      %dma_start3A_70 = arith.constant 0 : i32
      %dma_start3A_71 = tpu.memref_slice %arg3[%add3A, %dma_start3A_70] : memref<32x10112xi32, #tpu.memory_space<hbm>> -> memref<1x10112xi32, #tpu.memory_space<hbm>>
      %dma_start3A_72 = tpu.memref_squeeze %dma_start3A_71 : memref<1x10112xi32, #tpu.memory_space<hbm>> -> memref<10112xi32, #tpu.memory_space<hbm>>
      tpu.enqueue_dma source(%dma_start3A_72 : memref<10112xi32, #tpu.memory_space<hbm>>) target(%arg10 : memref<10112xi32, #tpu.memory_space<vmem>>) target_semaphore(%run_scoped3A_67 : memref<!tpu.dma_semaphore, #tpu.memory_space<semaphore_mem>>)
      %dma_wait3A = arith.constant 0 : i32
      %dma_wait3A_73 = tpu.memref_slice %arg3[%add3A, %dma_wait3A] : memref<32x10112xi32, #tpu.memory_space<hbm>> -> memref<1x10112xi32, #tpu.memory_space<hbm>>
      %dma_wait3A_74 = tpu.memref_squeeze %dma_wait3A_73 : memref<1x10112xi32, #tpu.memory_space<hbm>> -> memref<10112xi32, #tpu.memory_space<hbm>>
      %dma_wait3A_75 = arith.constant 0 : i32
      %dma_wait3A_76 = tpu.memref_slice %arg3[%add3A, %dma_wait3A_75] : memref<32x10112xi32, #tpu.memory_space<hbm>> -> memref<1x10112xi32, #tpu.memory_space<hbm>>
      %dma_wait3A_77 = tpu.memref_squeeze %dma_wait3A_76 : memref<1x10112xi32, #tpu.memory_space<hbm>> -> memref<10112xi32, #tpu.memory_space<hbm>>
      tpu.wait_dma2 semaphore(%run_scoped3A_67 : memref<!tpu.dma_semaphore, #tpu.memory_space<semaphore_mem>>) src(%dma_wait3A_77 : memref<10112xi32, #tpu.memory_space<hbm>>) dst(%arg10 : memref<10112xi32, #tpu.memory_space<vmem>>)
      tpu.yield
    }) : () -> ()
    "tpu.region"() ({
      %run_scoped3A_67 = tpu.sem_alloc : memref<!tpu.dma_semaphore, #tpu.memory_space<semaphore_mem>>
      tpu.enqueue_dma source(%arg4 : memref<10240xi32, #tpu.memory_space<hbm>>) target(%arg11 : memref<10240xi32, #tpu.memory_space<vmem>>) target_semaphore(%run_scoped3A_67 : memref<!tpu.dma_semaphore, #tpu.memory_space<semaphore_mem>>)
      tpu.wait_dma2 semaphore(%run_scoped3A_67 : memref<!tpu.dma_semaphore, #tpu.memory_space<semaphore_mem>>) src(%arg4 : memref<10240xi32, #tpu.memory_space<hbm>>) dst(%arg11 : memref<10240xi32, #tpu.memory_space<vmem>>)
      tpu.yield
    }) : () -> ()
    %broadcast_in_dim3A = arith.constant 1.000000e+00 : f32
    %broadcast_in_dim3A_1 = vector.broadcast %broadcast_in_dim3A : f32 to vector<16xf32>
    %scan3A = arith.constant 0 : i32
    %scan3A_2 = arith.constant 0 : i32
    %scan3A_3 = arith.constant 632 : i32
    %scan3A_4 = arith.addi %scan3A_2, %scan3A_3 : i32
    %scan3A_5 = arith.constant 1 : i32
    %scan3A_6 = scf.for %scan3A_67 = %scan3A_2 to %scan3A_4 step %scan3A_5 iter_args(%scan3A_68 = %scan3A) -> (i32)  : i32 {
      %mul3A_69 = arith.constant 16 : i32
      %mul3A_70 = arith.muli %scan3A_67, %mul3A_69 : i32
      %multiple_of3A = tpu.assume_multiple %mul3A_70, 16 : i32
      %get3A = arith.index_cast %multiple_of3A : i32 to index
      %get3A_71 = tpu.vector_load %arg10[%get3A] {strides = array<i32>} : memref<10112xi32, #tpu.memory_space<vmem>>, vector<16xi32>,
      %get3A_72 = arith.index_cast %multiple_of3A : i32 to index
      %get3A_73 = tpu.vector_load %arg9[%get3A_72] {strides = array<i32>} : memref<10112xi32, #tpu.memory_space<vmem>>, vector<16xi32>,
      tpu.vector_store_idx %arg14[%get3A_71], %broadcast_in_dim3A_1 {add = true} : memref<10240xf32, #tpu.memory_space<vmem>>[vector<16xi32>], vector<16xf32>,
      %gather3A = tpu.vector_load_idx %arg11[%get3A_71] : memref<10240xi32, #tpu.memory_space<vmem>>[vector<16xi32>], vector<16xi32>,
      %ge3A = arith.constant 0 : i32
      %ge3A_74 = vector.broadcast %ge3A : i32 to vector<16xi32>
      %ge3A_75 = arith.cmpi sge, %gather3A, %ge3A_74 : vector<16xi32>
      %shift_left3A = arith.constant 18 : i32
      %shift_left3A_76 = vector.broadcast %shift_left3A : i32 to vector<16xi32>
      %shift_left3A_77 = arith.shli %gather3A, %shift_left3A_76 : vector<16xi32>
      %or3A = arith.ori %get3A_73, %shift_left3A_77 : vector<16xi32>
      %swap3A_78 = arith.index_cast %scan3A_68 : i32 to index
      %swap3A_79 = tpu.vector_load %arg12[%swap3A_78] masked %ge3A_75 {strides = array<i32>} : memref<10240xi32, #tpu.memory_space<vmem>>, vector<16xi32>, vector<16xi1>
      tpu.vector_store %arg12[%swap3A_78], %or3A masked %ge3A_75 {strides = array<i32>} : memref<10240xi32, #tpu.memory_space<vmem>>, vector<16xi32>, vector<16xi1>
      %all_reduce_population_count3A = tpu.all_reduce %ge3A_75 {dim = 0 : i64, kind = #tpu.reduction_kind<sum>} : vector<16xi1> -> vector<16xi32>
      %slice3A = vector.extract_strided_slice %all_reduce_population_count3A {offsets = [0], sizes = [1], strides = [1]} : vector<16xi32> to vector<1xi32>
      %squeeze3A = vector.extract %slice3A[0] : i32 from vector<1xi32>
      %add3A_80 = arith.addi %scan3A_68, %squeeze3A : i32
      scf.yield %add3A_80 : i32
    }
    %scan3A_7 = arith.constant 632 : i32
    %broadcast_in_dim3A_8 = arith.constant 65546000 : i32
    %broadcast_in_dim3A_9 = vector.broadcast %broadcast_in_dim3A_8 : i32 to vector<16xi32>
    %add3A_10 = arith.constant 0 : i32
    %add3A_11 = arith.addi %scan3A_6, %add3A_10 : i32
    %swap3A = arith.index_cast %add3A_11 : i32 to index
    %swap3A_12 = tpu.vector_load %arg12[%swap3A] {strides = array<i32>} : memref<10240xi32, #tpu.memory_space<vmem>>, vector<16xi32>,
    tpu.vector_store %arg12[%swap3A], %broadcast_in_dim3A_9 {strides = array<i32>} : memref<10240xi32, #tpu.memory_space<vmem>>, vector<16xi32>,
    %add3A_13 = arith.constant 16 : i32
    %add3A_14 = arith.addi %scan3A_6, %add3A_13 : i32
    %swap3A_15 = arith.index_cast %add3A_14 : i32 to index
    %swap3A_16 = tpu.vector_load %arg12[%swap3A_15] {strides = array<i32>} : memref<10240xi32, #tpu.memory_space<vmem>>, vector<16xi32>,
    tpu.vector_store %arg12[%swap3A_15], %broadcast_in_dim3A_9 {strides = array<i32>} : memref<10240xi32, #tpu.memory_space<vmem>>, vector<16xi32>,
    %add3A_17 = arith.constant 32 : i32
    %add3A_18 = arith.addi %scan3A_6, %add3A_17 : i32
    %swap3A_19 = arith.index_cast %add3A_18 : i32 to index
    %swap3A_20 = tpu.vector_load %arg12[%swap3A_19] {strides = array<i32>} : memref<10240xi32, #tpu.memory_space<vmem>>, vector<16xi32>,
    tpu.vector_store %arg12[%swap3A_19], %broadcast_in_dim3A_9 {strides = array<i32>} : memref<10240xi32, #tpu.memory_space<vmem>>, vector<16xi32>,
    %add3A_21 = arith.constant 48 : i32
    %add3A_22 = arith.addi %scan3A_6, %add3A_21 : i32
    %swap3A_23 = arith.index_cast %add3A_22 : i32 to index
    %swap3A_24 = tpu.vector_load %arg12[%swap3A_23] {strides = array<i32>} : memref<10240xi32, #tpu.memory_space<vmem>>, vector<16xi32>,
    tpu.vector_store %arg12[%swap3A_23], %broadcast_in_dim3A_9 {strides = array<i32>} : memref<10240xi32, #tpu.memory_space<vmem>>, vector<16xi32>,
    %add3A_25 = arith.constant 64 : i32
    %add3A_26 = arith.addi %scan3A_6, %add3A_25 : i32
    %swap3A_27 = arith.index_cast %add3A_26 : i32 to index
    %swap3A_28 = tpu.vector_load %arg12[%swap3A_27] {strides = array<i32>} : memref<10240xi32, #tpu.memory_space<vmem>>, vector<16xi32>,
    tpu.vector_store %arg12[%swap3A_27], %broadcast_in_dim3A_9 {strides = array<i32>} : memref<10240xi32, #tpu.memory_space<vmem>>, vector<16xi32>,
    %add3A_29 = arith.constant 80 : i32
    %add3A_30 = arith.addi %scan3A_6, %add3A_29 : i32
    %swap3A_31 = arith.index_cast %add3A_30 : i32 to index
    %swap3A_32 = tpu.vector_load %arg12[%swap3A_31] {strides = array<i32>} : memref<10240xi32, #tpu.memory_space<vmem>>, vector<16xi32>,
    tpu.vector_store %arg12[%swap3A_31], %broadcast_in_dim3A_9 {strides = array<i32>} : memref<10240xi32, #tpu.memory_space<vmem>>, vector<16xi32>,
    %add3A_33 = arith.constant 96 : i32
    %add3A_34 = arith.addi %scan3A_6, %add3A_33 : i32
    %swap3A_35 = arith.index_cast %add3A_34 : i32 to index
    %swap3A_36 = tpu.vector_load %arg12[%swap3A_35] {strides = array<i32>} : memref<10240xi32, #tpu.memory_space<vmem>>, vector<16xi32>,
    tpu.vector_store %arg12[%swap3A_35], %broadcast_in_dim3A_9 {strides = array<i32>} : memref<10240xi32, #tpu.memory_space<vmem>>, vector<16xi32>,
    %add3A_37 = arith.constant 112 : i32
    %add3A_38 = arith.addi %scan3A_6, %add3A_37 : i32
    %swap3A_39 = arith.index_cast %add3A_38 : i32 to index
    %swap3A_40 = tpu.vector_load %arg12[%swap3A_39] {strides = array<i32>} : memref<10240xi32, #tpu.memory_space<vmem>>, vector<16xi32>,
    tpu.vector_store %arg12[%swap3A_39], %broadcast_in_dim3A_9 {strides = array<i32>} : memref<10240xi32, #tpu.memory_space<vmem>>, vector<16xi32>,
    %broadcast_in_dim3A_41 = vector.broadcast %scan3A_6 : i32 to vector<16xi32>
    %swap3A_42 = arith.constant 0 : index
    %swap3A_43 = tpu.vector_load %arg13[%swap3A_42] {strides = array<i32>} : memref<16xi32, #tpu.memory_space<vmem>>, vector<16xi32>,
    tpu.vector_store %arg13[%swap3A_42], %broadcast_in_dim3A_41 {strides = array<i32>} : memref<16xi32, #tpu.memory_space<vmem>>, vector<16xi32>,
    "tpu.region"() ({
      %run_scoped3A_67 = tpu.sem_alloc : memref<!tpu.dma_semaphore, #tpu.memory_space<semaphore_mem>>
      %dma_start3A = arith.constant 0 : i32
      %dma_start3A_68 = tpu.memref_slice %arg8[%add3A, %dma_start3A] : memref<32x16xi32, #tpu.memory_space<hbm>> -> memref<1x16xi32, #tpu.memory_space<hbm>>
      %dma_start3A_69 = tpu.memref_squeeze %dma_start3A_68 : memref<1x16xi32, #tpu.memory_space<hbm>> -> memref<16xi32, #tpu.memory_space<hbm>>
      %dma_start3A_70 = arith.constant 0 : i32
      %dma_start3A_71 = tpu.memref_slice %arg8[%add3A, %dma_start3A_70] : memref<32x16xi32, #tpu.memory_space<hbm>> -> memref<1x16xi32, #tpu.memory_space<hbm>>
      %dma_start3A_72 = tpu.memref_squeeze %dma_start3A_71 : memref<1x16xi32, #tpu.memory_space<hbm>> -> memref<16xi32, #tpu.memory_space<hbm>>
      tpu.enqueue_dma source(%arg13 : memref<16xi32, #tpu.memory_space<vmem>>) target(%dma_start3A_72 : memref<16xi32, #tpu.memory_space<hbm>>) target_semaphore(%run_scoped3A_67 : memref<!tpu.dma_semaphore, #tpu.memory_space<semaphore_mem>>)
      %dma_wait3A = arith.constant 0 : i32
      %dma_wait3A_73 = tpu.memref_slice %arg8[%add3A, %dma_wait3A] : memref<32x16xi32, #tpu.memory_space<hbm>> -> memref<1x16xi32, #tpu.memory_space<hbm>>
      %dma_wait3A_74 = tpu.memref_squeeze %dma_wait3A_73 : memref<1x16xi32, #tpu.memory_space<hbm>> -> memref<16xi32, #tpu.memory_space<hbm>>
      %dma_wait3A_75 = arith.constant 0 : i32
      %dma_wait3A_76 = tpu.memref_slice %arg8[%add3A, %dma_wait3A_75] : memref<32x16xi32, #tpu.memory_space<hbm>> -> memref<1x16xi32, #tpu.memory_space<hbm>>
      %dma_wait3A_77 = tpu.memref_squeeze %dma_wait3A_76 : memref<1x16xi32, #tpu.memory_space<hbm>> -> memref<16xi32, #tpu.memory_space<hbm>>
      tpu.wait_dma2 semaphore(%run_scoped3A_67 : memref<!tpu.dma_semaphore, #tpu.memory_space<semaphore_mem>>) src(%arg13 : memref<16xi32, #tpu.memory_space<vmem>>) dst(%dma_wait3A_77 : memref<16xi32, #tpu.memory_space<hbm>>)
      tpu.yield
    }) : () -> ()
    %add3A_44 = arith.constant 128 : i32
    %add3A_45 = arith.addi %scan3A_6, %add3A_44 : i32
    %sub3A = arith.constant 1 : i32
    %sub3A_46 = arith.subi %add3A_45, %sub3A : i32
    %div3A = arith.constant 128 : i32
    %div3A_47 = arith.divsi %sub3A_46, %div3A : i32
    %while3A = arith.constant 0 : i32
    %while3A_48 = arith.constant 0 : i32
    %while3A_49 = arith.subi %div3A_47, %while3A_48 : i32
    %while3A_50 = arith.addi %while3A_48, %while3A_49 : i32
    %while3A_51 = arith.constant 1 : i32
    %while3A_52 = arith.divsi %while3A_49, %while3A_51 : i32
    %while3A_53 = arith.muli %while3A_52, %while3A_51 : i32
    %while3A_54 = arith.addi %while3A_48, %while3A_53 : i32
    %while3A_55 = arith.constant 1 : i32
    scf.for %while3A_67 = %while3A_48 to %while3A_54 step %while3A_55  : i32 {
      %mul3A_68 = arith.constant 128 : i32
      %mul3A_69 = arith.muli %while3A_67, %mul3A_68 : i32
      "tpu.region"() ({
        %run_scoped3A_70 = tpu.sem_alloc : memref<!tpu.dma_semaphore, #tpu.memory_space<semaphore_mem>>
        %dma_start3A = tpu.memref_slice %arg12[%mul3A_69] : memref<10240xi32, #tpu.memory_space<vmem>> -> memref<128xi32, #tpu.memory_space<vmem>>
        %dma_start3A_71 = arith.constant 0 : i32
        %dma_start3A_72 = arith.constant 0 : i32
        %dma_start3A_73 = tpu.memref_slice %arg7[%add3A, %dma_start3A_71, %dma_start3A_72] : memref<32x80x128xi32, #tpu.memory_space<hbm>> -> memref<1x80x128xi32, #tpu.memory_space<hbm>>
        %dma_start3A_74 = tpu.memref_squeeze %dma_start3A_73 : memref<1x80x128xi32, #tpu.memory_space<hbm>> -> memref<80x128xi32, #tpu.memory_space<hbm>>
        %dma_start3A_75 = arith.constant 0 : i32
        %dma_start3A_76 = tpu.memref_slice %dma_start3A_74[%while3A_67, %dma_start3A_75] : memref<80x128xi32, #tpu.memory_space<hbm>> -> memref<1x128xi32, #tpu.memory_space<hbm>>
        %dma_start3A_77 = tpu.memref_squeeze %dma_start3A_76 : memref<1x128xi32, #tpu.memory_space<hbm>> -> memref<128xi32, #tpu.memory_space<hbm>>
        %dma_start3A_78 = arith.constant 0 : i32
        %dma_start3A_79 = arith.constant 0 : i32
        %dma_start3A_80 = tpu.memref_slice %arg7[%add3A, %dma_start3A_78, %dma_start3A_79] : memref<32x80x128xi32, #tpu.memory_space<hbm>> -> memref<1x80x128xi32, #tpu.memory_space<hbm>>
        %dma_start3A_81 = tpu.memref_squeeze %dma_start3A_80 : memref<1x80x128xi32, #tpu.memory_space<hbm>> -> memref<80x128xi32, #tpu.memory_space<hbm>>
        %dma_start3A_82 = arith.constant 0 : i32
        %dma_start3A_83 = tpu.memref_slice %dma_start3A_81[%while3A_67, %dma_start3A_82] : memref<80x128xi32, #tpu.memory_space<hbm>> -> memref<1x128xi32, #tpu.memory_space<hbm>>
        %dma_start3A_84 = tpu.memref_squeeze %dma_start3A_83 : memref<1x128xi32, #tpu.memory_space<hbm>> -> memref<128xi32, #tpu.memory_space<hbm>>
        %dma_start3A_85 = tpu.memref_slice %arg12[%mul3A_69] : memref<10240xi32, #tpu.memory_space<vmem>> -> memref<128xi32, #tpu.memory_space<vmem>>
        tpu.enqueue_dma source(%dma_start3A_85 : memref<128xi32, #tpu.memory_space<vmem>>) target(%dma_start3A_84 : memref<128xi32, #tpu.memory_space<hbm>>) target_semaphore(%run_scoped3A_70 : memref<!tpu.dma_semaphore, #tpu.memory_space<semaphore_mem>>)
        %dma_wait3A = tpu.memref_slice %arg12[%mul3A_69] : memref<10240xi32, #tpu.memory_space<vmem>> -> memref<128xi32, #tpu.memory_space<vmem>>
        %dma_wait3A_86 = arith.constant 0 : i32
        %dma_wait3A_87 = arith.constant 0 : i32
        %dma_wait3A_88 = tpu.memref_slice %arg7[%add3A, %dma_wait3A_86, %dma_wait3A_87] : memref<32x80x128xi32, #tpu.memory_space<hbm>> -> memref<1x80x128xi32, #tpu.memory_space<hbm>>
        %dma_wait3A_89 = tpu.memref_squeeze %dma_wait3A_88 : memref<1x80x128xi32, #tpu.memory_space<hbm>> -> memref<80x128xi32, #tpu.memory_space<hbm>>
        %dma_wait3A_90 = arith.constant 0 : i32
        %dma_wait3A_91 = tpu.memref_slice %dma_wait3A_89[%while3A_67, %dma_wait3A_90] : memref<80x128xi32, #tpu.memory_space<hbm>> -> memref<1x128xi32, #tpu.memory_space<hbm>>
        %dma_wait3A_92 = tpu.memref_squeeze %dma_wait3A_91 : memref<1x128xi32, #tpu.memory_space<hbm>> -> memref<128xi32, #tpu.memory_space<hbm>>
        %dma_wait3A_93 = arith.constant 0 : i32
        %dma_wait3A_94 = arith.constant 0 : i32
        %dma_wait3A_95 = tpu.memref_slice %arg7[%add3A, %dma_wait3A_93, %dma_wait3A_94] : memref<32x80x128xi32, #tpu.memory_space<hbm>> -> memref<1x80x128xi32, #tpu.memory_space<hbm>>
        %dma_wait3A_96 = tpu.memref_squeeze %dma_wait3A_95 : memref<1x80x128xi32, #tpu.memory_space<hbm>> -> memref<80x128xi32, #tpu.memory_space<hbm>>
        %dma_wait3A_97 = arith.constant 0 : i32
        %dma_wait3A_98 = tpu.memref_slice %dma_wait3A_96[%while3A_67, %dma_wait3A_97] : memref<80x128xi32, #tpu.memory_space<hbm>> -> memref<1x128xi32, #tpu.memory_space<hbm>>
        %dma_wait3A_99 = tpu.memref_squeeze %dma_wait3A_98 : memref<1x128xi32, #tpu.memory_space<hbm>> -> memref<128xi32, #tpu.memory_space<hbm>>
        %dma_wait3A_100 = tpu.memref_slice %arg12[%mul3A_69] : memref<10240xi32, #tpu.memory_space<vmem>> -> memref<128xi32, #tpu.memory_space<vmem>>
        tpu.wait_dma2 semaphore(%run_scoped3A_70 : memref<!tpu.dma_semaphore, #tpu.memory_space<semaphore_mem>>) src(%dma_wait3A_100 : memref<128xi32, #tpu.memory_space<vmem>>) dst(%dma_wait3A_99 : memref<128xi32, #tpu.memory_space<hbm>>)
        tpu.yield
      }) : () -> ()
    }
    %while3A_56 = arith.constant 1 : i32
    scf.for %while3A_67 = %while3A_54 to %while3A_50 step %while3A_56  : i32 {
      %mul3A_68 = arith.constant 128 : i32
      %mul3A_69 = arith.muli %while3A_67, %mul3A_68 : i32
      "tpu.region"() ({
        %run_scoped3A_70 = tpu.sem_alloc : memref<!tpu.dma_semaphore, #tpu.memory_space<semaphore_mem>>
        %dma_start3A = tpu.memref_slice %arg12[%mul3A_69] : memref<10240xi32, #tpu.memory_space<vmem>> -> memref<128xi32, #tpu.memory_space<vmem>>
        %dma_start3A_71 = arith.constant 0 : i32
        %dma_start3A_72 = arith.constant 0 : i32
        %dma_start3A_73 = tpu.memref_slice %arg7[%add3A, %dma_start3A_71, %dma_start3A_72] : memref<32x80x128xi32, #tpu.memory_space<hbm>> -> memref<1x80x128xi32, #tpu.memory_space<hbm>>
        %dma_start3A_74 = tpu.memref_squeeze %dma_start3A_73 : memref<1x80x128xi32, #tpu.memory_space<hbm>> -> memref<80x128xi32, #tpu.memory_space<hbm>>
        %dma_start3A_75 = arith.constant 0 : i32
        %dma_start3A_76 = tpu.memref_slice %dma_start3A_74[%while3A_67, %dma_start3A_75] : memref<80x128xi32, #tpu.memory_space<hbm>> -> memref<1x128xi32, #tpu.memory_space<hbm>>
        %dma_start3A_77 = tpu.memref_squeeze %dma_start3A_76 : memref<1x128xi32, #tpu.memory_space<hbm>> -> memref<128xi32, #tpu.memory_space<hbm>>
        %dma_start3A_78 = arith.constant 0 : i32
        %dma_start3A_79 = arith.constant 0 : i32
        %dma_start3A_80 = tpu.memref_slice %arg7[%add3A, %dma_start3A_78, %dma_start3A_79] : memref<32x80x128xi32, #tpu.memory_space<hbm>> -> memref<1x80x128xi32, #tpu.memory_space<hbm>>
        %dma_start3A_81 = tpu.memref_squeeze %dma_start3A_80 : memref<1x80x128xi32, #tpu.memory_space<hbm>> -> memref<80x128xi32, #tpu.memory_space<hbm>>
        %dma_start3A_82 = arith.constant 0 : i32
        %dma_start3A_83 = tpu.memref_slice %dma_start3A_81[%while3A_67, %dma_start3A_82] : memref<80x128xi32, #tpu.memory_space<hbm>> -> memref<1x128xi32, #tpu.memory_space<hbm>>
        %dma_start3A_84 = tpu.memref_squeeze %dma_start3A_83 : memref<1x128xi32, #tpu.memory_space<hbm>> -> memref<128xi32, #tpu.memory_space<hbm>>
        %dma_start3A_85 = tpu.memref_slice %arg12[%mul3A_69] : memref<10240xi32, #tpu.memory_space<vmem>> -> memref<128xi32, #tpu.memory_space<vmem>>
        tpu.enqueue_dma source(%dma_start3A_85 : memref<128xi32, #tpu.memory_space<vmem>>) target(%dma_start3A_84 : memref<128xi32, #tpu.memory_space<hbm>>) target_semaphore(%run_scoped3A_70 : memref<!tpu.dma_semaphore, #tpu.memory_space<semaphore_mem>>)
        %dma_wait3A = tpu.memref_slice %arg12[%mul3A_69] : memref<10240xi32, #tpu.memory_space<vmem>> -> memref<128xi32, #tpu.memory_space<vmem>>
        %dma_wait3A_86 = arith.constant 0 : i32
        %dma_wait3A_87 = arith.constant 0 : i32
        %dma_wait3A_88 = tpu.memref_slice %arg7[%add3A, %dma_wait3A_86, %dma_wait3A_87] : memref<32x80x128xi32, #tpu.memory_space<hbm>> -> memref<1x80x128xi32, #tpu.memory_space<hbm>>
        %dma_wait3A_89 = tpu.memref_squeeze %dma_wait3A_88 : memref<1x80x128xi32, #tpu.memory_space<hbm>> -> memref<80x128xi32, #tpu.memory_space<hbm>>
        %dma_wait3A_90 = arith.constant 0 : i32
        %dma_wait3A_91 = tpu.memref_slice %dma_wait3A_89[%while3A_67, %dma_wait3A_90] : memref<80x128xi32, #tpu.memory_space<hbm>> -> memref<1x128xi32, #tpu.memory_space<hbm>>
        %dma_wait3A_92 = tpu.memref_squeeze %dma_wait3A_91 : memref<1x128xi32, #tpu.memory_space<hbm>> -> memref<128xi32, #tpu.memory_space<hbm>>
        %dma_wait3A_93 = arith.constant 0 : i32
        %dma_wait3A_94 = arith.constant 0 : i32
        %dma_wait3A_95 = tpu.memref_slice %arg7[%add3A, %dma_wait3A_93, %dma_wait3A_94] : memref<32x80x128xi32, #tpu.memory_space<hbm>> -> memref<1x80x128xi32, #tpu.memory_space<hbm>>
        %dma_wait3A_96 = tpu.memref_squeeze %dma_wait3A_95 : memref<1x80x128xi32, #tpu.memory_space<hbm>> -> memref<80x128xi32, #tpu.memory_space<hbm>>
        %dma_wait3A_97 = arith.constant 0 : i32
        %dma_wait3A_98 = tpu.memref_slice %dma_wait3A_96[%while3A_67, %dma_wait3A_97] : memref<80x128xi32, #tpu.memory_space<hbm>> -> memref<1x128xi32, #tpu.memory_space<hbm>>
        %dma_wait3A_99 = tpu.memref_squeeze %dma_wait3A_98 : memref<1x128xi32, #tpu.memory_space<hbm>> -> memref<128xi32, #tpu.memory_space<hbm>>
        %dma_wait3A_100 = tpu.memref_slice %arg12[%mul3A_69] : memref<10240xi32, #tpu.memory_space<vmem>> -> memref<128xi32, #tpu.memory_space<vmem>>
        tpu.wait_dma2 semaphore(%run_scoped3A_70 : memref<!tpu.dma_semaphore, #tpu.memory_space<semaphore_mem>>) src(%dma_wait3A_100 : memref<128xi32, #tpu.memory_space<vmem>>) dst(%dma_wait3A_99 : memref<128xi32, #tpu.memory_space<hbm>>)
        tpu.yield
      }) : () -> ()
    }
    "tpu.region"() ({
      %run_scoped3A_67 = tpu.sem_alloc : memref<!tpu.dma_semaphore, #tpu.memory_space<semaphore_mem>>
      %dma_start3A = arith.constant 0 : i32
      %dma_start3A_68 = tpu.memref_slice %arg17[%arg1, %dma_start3A] : memref<16x10240xf32, #tpu.memory_space<vmem_shared>> -> memref<1x10240xf32, #tpu.memory_space<vmem_shared>>
      %dma_start3A_69 = tpu.memref_squeeze %dma_start3A_68 : memref<1x10240xf32, #tpu.memory_space<vmem_shared>> -> memref<10240xf32, #tpu.memory_space<vmem_shared>>
      %dma_start3A_70 = arith.constant 0 : i32
      %dma_start3A_71 = tpu.memref_slice %arg17[%arg1, %dma_start3A_70] : memref<16x10240xf32, #tpu.memory_space<vmem_shared>> -> memref<1x10240xf32, #tpu.memory_space<vmem_shared>>
      %dma_start3A_72 = tpu.memref_squeeze %dma_start3A_71 : memref<1x10240xf32, #tpu.memory_space<vmem_shared>> -> memref<10240xf32, #tpu.memory_space<vmem_shared>>
      tpu.enqueue_dma source(%arg14 : memref<10240xf32, #tpu.memory_space<vmem>>) target(%dma_start3A_72 : memref<10240xf32, #tpu.memory_space<vmem_shared>>) target_semaphore(%run_scoped3A_67 : memref<!tpu.dma_semaphore, #tpu.memory_space<semaphore_mem>>)
      %dma_wait3A = arith.constant 0 : i32
      %dma_wait3A_73 = tpu.memref_slice %arg17[%arg1, %dma_wait3A] : memref<16x10240xf32, #tpu.memory_space<vmem_shared>> -> memref<1x10240xf32, #tpu.memory_space<vmem_shared>>
      %dma_wait3A_74 = tpu.memref_squeeze %dma_wait3A_73 : memref<1x10240xf32, #tpu.memory_space<vmem_shared>> -> memref<10240xf32, #tpu.memory_space<vmem_shared>>
      %dma_wait3A_75 = arith.constant 0 : i32
      %dma_wait3A_76 = tpu.memref_slice %arg17[%arg1, %dma_wait3A_75] : memref<16x10240xf32, #tpu.memory_space<vmem_shared>> -> memref<1x10240xf32, #tpu.memory_space<vmem_shared>>
      %dma_wait3A_77 = tpu.memref_squeeze %dma_wait3A_76 : memref<1x10240xf32, #tpu.memory_space<vmem_shared>> -> memref<10240xf32, #tpu.memory_space<vmem_shared>>
      tpu.wait_dma2 semaphore(%run_scoped3A_67 : memref<!tpu.dma_semaphore, #tpu.memory_space<semaphore_mem>>) src(%arg14 : memref<10240xf32, #tpu.memory_space<vmem>>) dst(%dma_wait3A_77 : memref<10240xf32, #tpu.memory_space<vmem_shared>>)
      tpu.yield
    }) : () -> ()
    %barrier3A = arith.constant 0 : index
    tpu.barrier barrier_id(%barrier3A)
    %mul3A_57 = arith.constant 640 : i32
    %mul3A_58 = arith.muli %arg1, %mul3A_57 : i32
    %run_scoped3A = arith.constant 0 : i32
    "tpu.region"() ({
      %run_scoped3A_67 = tpu.sem_alloc : memref<!tpu.dma_semaphore, #tpu.memory_space<semaphore_mem>>
      %dma_start3A = arith.constant 0 : i32
      %dma_start3A_68 = tpu.memref_slice %arg17[%run_scoped3A, %dma_start3A] : memref<16x10240xf32, #tpu.memory_space<vmem_shared>> -> memref<1x10240xf32, #tpu.memory_space<vmem_shared>>
      %dma_start3A_69 = tpu.memref_squeeze %dma_start3A_68 : memref<1x10240xf32, #tpu.memory_space<vmem_shared>> -> memref<10240xf32, #tpu.memory_space<vmem_shared>>
      %dma_start3A_70 = tpu.memref_slice %dma_start3A_69[%mul3A_58] : memref<10240xf32, #tpu.memory_space<vmem_shared>> -> memref<640xf32, #tpu.memory_space<vmem_shared>>
      %dma_start3A_71 = arith.constant 0 : i32
      %dma_start3A_72 = tpu.memref_slice %arg17[%run_scoped3A, %dma_start3A_71] : memref<16x10240xf32, #tpu.memory_space<vmem_shared>> -> memref<1x10240xf32, #tpu.memory_space<vmem_shared>>
      %dma_start3A_73 = tpu.memref_squeeze %dma_start3A_72 : memref<1x10240xf32, #tpu.memory_space<vmem_shared>> -> memref<10240xf32, #tpu.memory_space<vmem_shared>>
      %dma_start3A_74 = tpu.memref_slice %dma_start3A_73[%mul3A_58] : memref<10240xf32, #tpu.memory_space<vmem_shared>> -> memref<640xf32, #tpu.memory_space<vmem_shared>>
      tpu.enqueue_dma source(%dma_start3A_74 : memref<640xf32, #tpu.memory_space<vmem_shared>>) target(%arg15 : memref<640xf32, #tpu.memory_space<vmem>>) target_semaphore(%run_scoped3A_67 : memref<!tpu.dma_semaphore, #tpu.memory_space<semaphore_mem>>)
      %dma_wait3A = arith.constant 0 : i32
      %dma_wait3A_75 = tpu.memref_slice %arg17[%run_scoped3A, %dma_wait3A] : memref<16x10240xf32, #tpu.memory_space<vmem_shared>> -> memref<1x10240xf32, #tpu.memory_space<vmem_shared>>
      %dma_wait3A_76 = tpu.memref_squeeze %dma_wait3A_75 : memref<1x10240xf32, #tpu.memory_space<vmem_shared>> -> memref<10240xf32, #tpu.memory_space<vmem_shared>>
      %dma_wait3A_77 = tpu.memref_slice %dma_wait3A_76[%mul3A_58] : memref<10240xf32, #tpu.memory_space<vmem_shared>> -> memref<640xf32, #tpu.memory_space<vmem_shared>>
      %dma_wait3A_78 = arith.constant 0 : i32
      %dma_wait3A_79 = tpu.memref_slice %arg17[%run_scoped3A, %dma_wait3A_78] : memref<16x10240xf32, #tpu.memory_space<vmem_shared>> -> memref<1x10240xf32, #tpu.memory_space<vmem_shared>>
      %dma_wait3A_80 = tpu.memref_squeeze %dma_wait3A_79 : memref<1x10240xf32, #tpu.memory_space<vmem_shared>> -> memref<10240xf32, #tpu.memory_space<vmem_shared>>
      %dma_wait3A_81 = tpu.memref_slice %dma_wait3A_80[%mul3A_58] : memref<10240xf32, #tpu.memory_space<vmem_shared>> -> memref<640xf32, #tpu.memory_space<vmem_shared>>
      tpu.wait_dma2 semaphore(%run_scoped3A_67 : memref<!tpu.dma_semaphore, #tpu.memory_space<semaphore_mem>>) src(%dma_wait3A_81 : memref<640xf32, #tpu.memory_space<vmem_shared>>) dst(%arg15 : memref<640xf32, #tpu.memory_space<vmem>>)
      tpu.yield
    }) : () -> ()
    %scan3A_59 = arith.constant 0 : i32
    %scan3A_60 = arith.constant 1 : i32
    %scan3A_61 = arith.constant 15 : i32
    %scan3A_62 = arith.addi %scan3A_60, %scan3A_61 : i32
    %scan3A_63 = arith.constant 1 : i32
    scf.for %scan3A_67 = %scan3A_60 to %scan3A_62 step %scan3A_63  : i32 {
      %mul3A_68 = arith.constant 640 : i32
      %mul3A_69 = arith.muli %arg1, %mul3A_68 : i32
      "tpu.region"() ({
        %run_scoped3A_76 = tpu.sem_alloc : memref<!tpu.dma_semaphore, #tpu.memory_space<semaphore_mem>>
        %dma_start3A = arith.constant 0 : i32
        %dma_start3A_77 = tpu.memref_slice %arg17[%scan3A_67, %dma_start3A] : memref<16x10240xf32, #tpu.memory_space<vmem_shared>> -> memref<1x10240xf32, #tpu.memory_space<vmem_shared>>
        %dma_start3A_78 = tpu.memref_squeeze %dma_start3A_77 : memref<1x10240xf32, #tpu.memory_space<vmem_shared>> -> memref<10240xf32, #tpu.memory_space<vmem_shared>>
        %dma_start3A_79 = tpu.memref_slice %dma_start3A_78[%mul3A_69] : memref<10240xf32, #tpu.memory_space<vmem_shared>> -> memref<640xf32, #tpu.memory_space<vmem_shared>>
        %dma_start3A_80 = arith.constant 0 : i32
        %dma_start3A_81 = tpu.memref_slice %arg17[%scan3A_67, %dma_start3A_80] : memref<16x10240xf32, #tpu.memory_space<vmem_shared>> -> memref<1x10240xf32, #tpu.memory_space<vmem_shared>>
        %dma_start3A_82 = tpu.memref_squeeze %dma_start3A_81 : memref<1x10240xf32, #tpu.memory_space<vmem_shared>> -> memref<10240xf32, #tpu.memory_space<vmem_shared>>
        %dma_start3A_83 = tpu.memref_slice %dma_start3A_82[%mul3A_69] : memref<10240xf32, #tpu.memory_space<vmem_shared>> -> memref<640xf32, #tpu.memory_space<vmem_shared>>
        tpu.enqueue_dma source(%dma_start3A_83 : memref<640xf32, #tpu.memory_space<vmem_shared>>) target(%arg16 : memref<640xf32, #tpu.memory_space<vmem>>) target_semaphore(%run_scoped3A_76 : memref<!tpu.dma_semaphore, #tpu.memory_space<semaphore_mem>>)
        %dma_wait3A = arith.constant 0 : i32
        %dma_wait3A_84 = tpu.memref_slice %arg17[%scan3A_67, %dma_wait3A] : memref<16x10240xf32, #tpu.memory_space<vmem_shared>> -> memref<1x10240xf32, #tpu.memory_space<vmem_shared>>
        %dma_wait3A_85 = tpu.memref_squeeze %dma_wait3A_84 : memref<1x10240xf32, #tpu.memory_space<vmem_shared>> -> memref<10240xf32, #tpu.memory_space<vmem_shared>>
        %dma_wait3A_86 = tpu.memref_slice %dma_wait3A_85[%mul3A_69] : memref<10240xf32, #tpu.memory_space<vmem_shared>> -> memref<640xf32, #tpu.memory_space<vmem_shared>>
        %dma_wait3A_87 = arith.constant 0 : i32
        %dma_wait3A_88 = tpu.memref_slice %arg17[%scan3A_67, %dma_wait3A_87] : memref<16x10240xf32, #tpu.memory_space<vmem_shared>> -> memref<1x10240xf32, #tpu.memory_space<vmem_shared>>
        %dma_wait3A_89 = tpu.memref_squeeze %dma_wait3A_88 : memref<1x10240xf32, #tpu.memory_space<vmem_shared>> -> memref<10240xf32, #tpu.memory_space<vmem_shared>>
        %dma_wait3A_90 = tpu.memref_slice %dma_wait3A_89[%mul3A_69] : memref<10240xf32, #tpu.memory_space<vmem_shared>> -> memref<640xf32, #tpu.memory_space<vmem_shared>>
        tpu.wait_dma2 semaphore(%run_scoped3A_76 : memref<!tpu.dma_semaphore, #tpu.memory_space<semaphore_mem>>) src(%dma_wait3A_90 : memref<640xf32, #tpu.memory_space<vmem_shared>>) dst(%arg16 : memref<640xf32, #tpu.memory_space<vmem>>)
        tpu.yield
      }) : () -> ()
      %scan3A_70 = arith.constant 0 : i32
      %scan3A_71 = arith.constant 0 : i32
      %scan3A_72 = arith.constant 40 : i32
      %scan3A_73 = arith.addi %scan3A_71, %scan3A_72 : i32
      %scan3A_74 = arith.constant 1 : i32
      scf.for %scan3A_76 = %scan3A_71 to %scan3A_73 step %scan3A_74  : i32 {
        %mul3A_77 = arith.constant 16 : i32
        %mul3A_78 = arith.muli %scan3A_76, %mul3A_77 : i32
        %multiple_of3A = tpu.assume_multiple %mul3A_78, 16 : i32
        %get3A = arith.index_cast %multiple_of3A : i32 to index
        %get3A_79 = tpu.vector_load %arg15[%get3A] {strides = array<i32>} : memref<640xf32, #tpu.memory_space<vmem>>, vector<16xf32>,
        %get3A_80 = arith.index_cast %multiple_of3A : i32 to index
        %get3A_81 = tpu.vector_load %arg16[%get3A_80] {strides = array<i32>} : memref<640xf32, #tpu.memory_space<vmem>>, vector<16xf32>,
        %add3A_82 = arith.addf %get3A_79, %get3A_81 : vector<16xf32>
        %swap3A_83 = arith.index_cast %multiple_of3A : i32 to index
        %swap3A_84 = tpu.vector_load %arg15[%swap3A_83] {strides = array<i32>} : memref<640xf32, #tpu.memory_space<vmem>>, vector<16xf32>,
        tpu.vector_store %arg15[%swap3A_83], %add3A_82 {strides = array<i32>} : memref<640xf32, #tpu.memory_space<vmem>>, vector<16xf32>,
      }
      %scan3A_75 = arith.constant 40 : i32
    }
    %scan3A_64 = arith.constant 15 : i32
    %mul3A_65 = arith.constant 640 : i32
    %mul3A_66 = arith.muli %arg1, %mul3A_65 : i32
    "tpu.region"() ({
      %run_scoped3A_67 = tpu.sem_alloc : memref<!tpu.dma_semaphore, #tpu.memory_space<semaphore_mem>>
      %dma_start3A = arith.constant 0 : i32
      %dma_start3A_68 = tpu.memref_slice %arg6[%arg0, %dma_start3A] : memref<2x10240xf32, #tpu.memory_space<hbm>> -> memref<1x10240xf32, #tpu.memory_space<hbm>>
      %dma_start3A_69 = tpu.memref_squeeze %dma_start3A_68 : memref<1x10240xf32, #tpu.memory_space<hbm>> -> memref<10240xf32, #tpu.memory_space<hbm>>
      %dma_start3A_70 = tpu.memref_slice %dma_start3A_69[%mul3A_66] : memref<10240xf32, #tpu.memory_space<hbm>> -> memref<640xf32, #tpu.memory_space<hbm>>
      %dma_start3A_71 = arith.constant 0 : i32
      %dma_start3A_72 = tpu.memref_slice %arg6[%arg0, %dma_start3A_71] : memref<2x10240xf32, #tpu.memory_space<hbm>> -> memref<1x10240xf32, #tpu.memory_space<hbm>>
      %dma_start3A_73 = tpu.memref_squeeze %dma_start3A_72 : memref<1x10240xf32, #tpu.memory_space<hbm>> -> memref<10240xf32, #tpu.memory_space<hbm>>
      %dma_start3A_74 = tpu.memref_slice %dma_start3A_73[%mul3A_66] : memref<10240xf32, #tpu.memory_space<hbm>> -> memref<640xf32, #tpu.memory_space<hbm>>
      tpu.enqueue_dma source(%arg15 : memref<640xf32, #tpu.memory_space<vmem>>) target(%dma_start3A_74 : memref<640xf32, #tpu.memory_space<hbm>>) target_semaphore(%run_scoped3A_67 : memref<!tpu.dma_semaphore, #tpu.memory_space<semaphore_mem>>)
      %dma_wait3A = arith.constant 0 : i32
      %dma_wait3A_75 = tpu.memref_slice %arg6[%arg0, %dma_wait3A] : memref<2x10240xf32, #tpu.memory_space<hbm>> -> memref<1x10240xf32, #tpu.memory_space<hbm>>
      %dma_wait3A_76 = tpu.memref_squeeze %dma_wait3A_75 : memref<1x10240xf32, #tpu.memory_space<hbm>> -> memref<10240xf32, #tpu.memory_space<hbm>>
      %dma_wait3A_77 = tpu.memref_slice %dma_wait3A_76[%mul3A_66] : memref<10240xf32, #tpu.memory_space<hbm>> -> memref<640xf32, #tpu.memory_space<hbm>>
      %dma_wait3A_78 = arith.constant 0 : i32
      %dma_wait3A_79 = tpu.memref_slice %arg6[%arg0, %dma_wait3A_78] : memref<2x10240xf32, #tpu.memory_space<hbm>> -> memref<1x10240xf32, #tpu.memory_space<hbm>>
      %dma_wait3A_80 = tpu.memref_squeeze %dma_wait3A_79 : memref<1x10240xf32, #tpu.memory_space<hbm>> -> memref<10240xf32, #tpu.memory_space<hbm>>
      %dma_wait3A_81 = tpu.memref_slice %dma_wait3A_80[%mul3A_66] : memref<10240xf32, #tpu.memory_space<hbm>> -> memref<640xf32, #tpu.memory_space<hbm>>
      tpu.wait_dma2 semaphore(%run_scoped3A_67 : memref<!tpu.dma_semaphore, #tpu.memory_space<semaphore_mem>>) src(%arg15 : memref<640xf32, #tpu.memory_space<vmem>>) dst(%dma_wait3A_81 : memref<640xf32, #tpu.memory_space<hbm>>)
      tpu.yield
    }) : () -> ()
    return
  }
}

module attributes {stable_mosaic.version = 14 : i64} {
  func.func @_prep_body(%arg0: memref<10000x128xf32, #tpu.memory_space<vmem>>, %arg1: memref<128x16xf32, #tpu.memory_space<vmem>>, %arg2: memref<10240x1xf32, #tpu.memory_space<vmem>>, %arg3: memref<10240x1xf32, #tpu.memory_space<vmem>>, %arg4: memref<10240x1xf32, #tpu.memory_space<vmem>>, %arg5: memref<10240x16xf32, #tpu.memory_space<vmem>>) attributes {dimension_semantics = [], scalar_prefetch = 0 : i64, scratch_operands = 0 : i64, tpu.core_type = #tpu.core_type<tc>} {
    %get3A = arith.constant 0 : index
    %get3A_0 = arith.constant 0 : index
    %get3A_1 = vector.load %arg0[%get3A, %get3A_0] : memref<10000x128xf32, #tpu.memory_space<vmem>>, vector<10000x128xf32>
    %get3A_2 = arith.constant 0 : index
    %get3A_3 = arith.constant 0 : index
    %get3A_4 = vector.load %arg1[%get3A_2, %get3A_3] : memref<128x16xf32, #tpu.memory_space<vmem>>, vector<128x16xf32>
    %dot_general3A = arith.constant dense<0.000000e+00> : vector<10000x16xf32>
    %dot_general3A_5 = tpu.matmul %get3A_1, %get3A_4, %dot_general3A {dimension_numbers = #tpu.dot_dimension_numbers<[1], [0], [0], [1], [0, 0, 1, 1], [], []>, transpose_lhs_hint = false} : vector<10000x128xf32>, vector<128x16xf32>, vector<10000x16xf32> -> vector<10000x16xf32>
    %get3A_6 = arith.constant 0 : index
    %get3A_7 = arith.constant 0 : index
    %get3A_8 = vector.load %arg2[%get3A_6, %get3A_7] : memref<10240x1xf32, #tpu.memory_space<vmem>>, vector<10240x1xf32>
    %get3A_9 = arith.constant 0 : index
    %get3A_10 = arith.constant 0 : index
    %get3A_11 = vector.load %arg3[%get3A_9, %get3A_10] : memref<10240x1xf32, #tpu.memory_space<vmem>>, vector<10240x1xf32>
    %add3A = arith.addf %get3A_8, %get3A_11 : vector<10240x1xf32>
    %add3A_12 = arith.constant 1.000000e+00 : f32
    %add3A_13 = vector.broadcast %add3A_12 : f32 to vector<10240x1xf32>
    %add3A_14 = arith.addf %add3A, %add3A_13 : vector<10240x1xf32>
    %rsqrt3A = math.rsqrt %add3A_14 : vector<10240x1xf32>
    %swap3A = arith.constant 0 : index
    %swap3A_15 = arith.constant 0 : index
    %swap3A_16 = vector.load %arg4[%swap3A, %swap3A_15] : memref<10240x1xf32, #tpu.memory_space<vmem>>, vector<10240x1xf32>
    tpu.vector_store %arg4[%swap3A, %swap3A_15], %rsqrt3A {strides = array<i32>} : memref<10240x1xf32, #tpu.memory_space<vmem>>, vector<10240x1xf32>,
    %slice3A = vector.extract_strided_slice %rsqrt3A {offsets = [0, 0], sizes = [10000, 1], strides = [1, 1]} : vector<10240x1xf32> to vector<10000x1xf32>
    %mul3A = vector.broadcast %slice3A : vector<10000x1xf32> to vector<10000x16xf32>
    %mul3A_17 = arith.mulf %dot_general3A_5, %mul3A : vector<10000x16xf32>
    %swap3A_18 = arith.constant 0 : index
    %swap3A_19 = arith.constant 0 : index
    %swap3A_20 = vector.load %arg5[%swap3A_18, %swap3A_19] : memref<10240x16xf32, #tpu.memory_space<vmem>>, vector<10000x16xf32>
    tpu.vector_store %arg5[%swap3A_18, %swap3A_19], %mul3A_17 {strides = array<i32>} : memref<10240x16xf32, #tpu.memory_space<vmem>>, vector<10000x16xf32>,
    %broadcast_in_dim3A = arith.constant 0.000000e+00 : f32
    %broadcast_in_dim3A_21 = vector.broadcast %broadcast_in_dim3A : f32 to vector<240x16xf32>
    %swap3A_22 = arith.constant 10000 : index
    %swap3A_23 = arith.constant 0 : index
    %swap3A_24 = vector.load %arg5[%swap3A_22, %swap3A_23] : memref<10240x16xf32, #tpu.memory_space<vmem>>, vector<240x16xf32>
    tpu.vector_store %arg5[%swap3A_22, %swap3A_23], %broadcast_in_dim3A_21 {strides = array<i32>} : memref<10240x16xf32, #tpu.memory_space<vmem>>, vector<240x16xf32>,
    return
  }
}

module attributes {stable_mosaic.version = 14 : i64} {
  func.func @_layer2_body(%arg0: memref<10240x16xf32, #tpu.memory_space<vmem>>, %arg1: memref<10240x16xf32, #tpu.memory_space<vmem>>, %arg2: memref<10240x16xf32, #tpu.memory_space<vmem>>, %arg3: memref<10240x1xf32, #tpu.memory_space<vmem>>, %arg4: memref<16x48xf32, #tpu.memory_space<vmem>>, %arg5: memref<1x16xf32, #tpu.memory_space<vmem>>, %arg6: memref<10240x48xf32, #tpu.memory_space<vmem>>) attributes {dimension_semantics = [], scalar_prefetch = 0 : i64, scratch_operands = 0 : i64, tpu.core_type = #tpu.core_type<tc>} {
    %get3A = arith.constant 0 : index
    %get3A_0 = arith.constant 0 : index
    %get3A_1 = vector.load %arg3[%get3A, %get3A_0] : memref<10240x1xf32, #tpu.memory_space<vmem>>, vector<10240x1xf32>
    %get3A_2 = arith.constant 0 : index
    %get3A_3 = arith.constant 0 : index
    %get3A_4 = vector.load %arg0[%get3A_2, %get3A_3] : memref<10240x16xf32, #tpu.memory_space<vmem>>, vector<10240x16xf32>
    %get3A_5 = arith.constant 0 : index
    %get3A_6 = arith.constant 0 : index
    %get3A_7 = vector.load %arg1[%get3A_5, %get3A_6] : memref<10240x16xf32, #tpu.memory_space<vmem>>, vector<10240x16xf32>
    %add3A = arith.addf %get3A_4, %get3A_7 : vector<10240x16xf32>
    %get3A_8 = arith.constant 0 : index
    %get3A_9 = arith.constant 0 : index
    %get3A_10 = vector.load %arg2[%get3A_8, %get3A_9] : memref<10240x16xf32, #tpu.memory_space<vmem>>, vector<10240x16xf32>
    %add3A_11 = arith.addf %add3A, %get3A_10 : vector<10240x16xf32>
    %mul3A = vector.broadcast %get3A_1 : vector<10240x1xf32> to vector<10240x16xf32>
    %mul3A_12 = arith.mulf %mul3A, %add3A_11 : vector<10240x16xf32>
    %get3A_13 = arith.constant 0 : index
    %get3A_14 = arith.constant 0 : index
    %get3A_15 = vector.load %arg5[%get3A_13, %get3A_14] : memref<1x16xf32, #tpu.memory_space<vmem>>, vector<1x16xf32>
    %add3A_16 = vector.broadcast %get3A_15 : vector<1x16xf32> to vector<10240x16xf32>
    %add3A_17 = arith.addf %mul3A_12, %add3A_16 : vector<10240x16xf32>
    %max3A = arith.constant 0.000000e+00 : f32
    %max3A_18 = vector.broadcast %max3A : f32 to vector<10240x16xf32>
    %max3A_19 = arith.maximumf %add3A_17, %max3A_18 : vector<10240x16xf32>
    %get3A_20 = arith.constant 0 : index
    %get3A_21 = arith.constant 0 : index
    %get3A_22 = vector.load %arg4[%get3A_20, %get3A_21] : memref<16x48xf32, #tpu.memory_space<vmem>>, vector<16x48xf32>
    %dot_general3A = arith.constant dense<0.000000e+00> : vector<10240x48xf32>
    %dot_general3A_23 = tpu.matmul %max3A_19, %get3A_22, %dot_general3A {dimension_numbers = #tpu.dot_dimension_numbers<[1], [0], [0], [1], [0, 0, 1, 1], [], []>, transpose_lhs_hint = false} : vector<10240x16xf32>, vector<16x48xf32>, vector<10240x48xf32> -> vector<10240x48xf32>
    %mul3A_24 = vector.broadcast %get3A_1 : vector<10240x1xf32> to vector<10240x48xf32>
    %mul3A_25 = arith.mulf %dot_general3A_23, %mul3A_24 : vector<10240x48xf32>
    %swap3A = arith.constant 0 : index
    %swap3A_26 = arith.constant 0 : index
    %swap3A_27 = vector.load %arg6[%swap3A, %swap3A_26] : memref<10240x48xf32, #tpu.memory_space<vmem>>, vector<10240x48xf32>
    tpu.vector_store %arg6[%swap3A, %swap3A_26], %mul3A_25 {strides = array<i32>} : memref<10240x48xf32, #tpu.memory_space<vmem>>, vector<10240x48xf32>,
    return
  }
}

module attributes {stable_mosaic.version = 14 : i64} {
  func.func @_final_body(%arg0: memref<256x48xf32, #tpu.memory_space<vmem>>, %arg1: memref<256x48xf32, #tpu.memory_space<vmem>>, %arg2: memref<256x48xf32, #tpu.memory_space<vmem>>, %arg3: memref<256x1xf32, #tpu.memory_space<vmem>>, %arg4: memref<1x48xf32, #tpu.memory_space<vmem>>, %arg5: memref<256x48xf32, #tpu.memory_space<vmem>>) attributes {dimension_semantics = [], scalar_prefetch = 0 : i64, scratch_operands = 0 : i64, tpu.core_type = #tpu.core_type<tc>} {
    %get3A = arith.constant 0 : index
    %get3A_0 = arith.constant 0 : index
    %get3A_1 = vector.load %arg3[%get3A, %get3A_0] : memref<256x1xf32, #tpu.memory_space<vmem>>, vector<256x1xf32>
    %get3A_2 = arith.constant 0 : index
    %get3A_3 = arith.constant 0 : index
    %get3A_4 = vector.load %arg0[%get3A_2, %get3A_3] : memref<256x48xf32, #tpu.memory_space<vmem>>, vector<256x48xf32>
    %get3A_5 = arith.constant 0 : index
    %get3A_6 = arith.constant 0 : index
    %get3A_7 = vector.load %arg1[%get3A_5, %get3A_6] : memref<256x48xf32, #tpu.memory_space<vmem>>, vector<256x48xf32>
    %add3A = arith.addf %get3A_4, %get3A_7 : vector<256x48xf32>
    %get3A_8 = arith.constant 0 : index
    %get3A_9 = arith.constant 0 : index
    %get3A_10 = vector.load %arg2[%get3A_8, %get3A_9] : memref<256x48xf32, #tpu.memory_space<vmem>>, vector<256x48xf32>
    %add3A_11 = arith.addf %add3A, %get3A_10 : vector<256x48xf32>
    %mul3A = vector.broadcast %get3A_1 : vector<256x1xf32> to vector<256x48xf32>
    %mul3A_12 = arith.mulf %mul3A, %add3A_11 : vector<256x48xf32>
    %get3A_13 = arith.constant 0 : index
    %get3A_14 = arith.constant 0 : index
    %get3A_15 = vector.load %arg4[%get3A_13, %get3A_14] : memref<1x48xf32, #tpu.memory_space<vmem>>, vector<1x48xf32>
    %add3A_16 = vector.broadcast %get3A_15 : vector<1x48xf32> to vector<256x48xf32>
    %add3A_17 = arith.addf %mul3A_12, %add3A_16 : vector<256x48xf32>
    %iota3A = tpu.iota {dimensions = array<i32: 1>} : vector<256x48xi32>
    %lt3A = arith.constant 40 : i32
    %lt3A_18 = vector.broadcast %lt3A : i32 to vector<256x48xi32>
    %lt3A_19 = arith.cmpi slt, %iota3A, %lt3A_18 : vector<256x48xi32>
    %jit3A = arith.constant -1.000000e+30 : f32
    %broadcast_in_dim3A = vector.broadcast %jit3A : f32 to vector<256x48xf32>
    %select_n3A = arith.select %lt3A_19, %add3A_17, %broadcast_in_dim3A : vector<256x48xi1>, vector<256x48xf32>
    %reduce_max3A = arith.constant dense<0xFF800000> : vector<256xf32>
    %reduce_max3A_20 = vector.multi_reduction <maximumf>, %select_n3A, %reduce_max3A [1] : vector<256x48xf32> to vector<256xf32>
    %broadcast_in_dim3A_21 = vector.shape_cast %reduce_max3A_20 : vector<256xf32> to vector<256x1xf32>
    %sub3A = vector.broadcast %broadcast_in_dim3A_21 : vector<256x1xf32> to vector<256x48xf32>
    %sub3A_22 = arith.subf %select_n3A, %sub3A : vector<256x48xf32>
    %exp3A = math.exp %sub3A_22 : vector<256x48xf32>
    %reduce_sum3A = arith.constant dense<0.000000e+00> : vector<256xf32>
    %reduce_sum3A_23 = vector.multi_reduction <add>, %exp3A, %reduce_sum3A [1] : vector<256x48xf32> to vector<256xf32>
    %broadcast_in_dim3A_24 = vector.shape_cast %reduce_sum3A_23 : vector<256xf32> to vector<256x1xf32>
    %sub3A_25 = vector.broadcast %broadcast_in_dim3A_21 : vector<256x1xf32> to vector<256x48xf32>
    %sub3A_26 = arith.subf %select_n3A, %sub3A_25 : vector<256x48xf32>
    %log3A = math.log %broadcast_in_dim3A_24 : vector<256x1xf32>
    %sub3A_27 = vector.broadcast %log3A : vector<256x1xf32> to vector<256x48xf32>
    %sub3A_28 = arith.subf %sub3A_26, %sub3A_27 : vector<256x48xf32>
    %swap3A = arith.constant 0 : index
    %swap3A_29 = arith.constant 0 : index
    %swap3A_30 = vector.load %arg5[%swap3A, %swap3A_29] : memref<256x48xf32, #tpu.memory_space<vmem>>, vector<256x48xf32>
    tpu.vector_store %arg5[%swap3A, %swap3A_29], %sub3A_28 {strides = array<i32>} : memref<256x48xf32, #tpu.memory_space<vmem>>, vector<256x48xf32>,
    return
  }
}

</mosaic_0001>

<sc_bundles>
// kernel: kernel.11.cloned.1.call-start
scs
__scs_entry_jumppad:
0x0: {  	(pc) =	sbr.rel $0x88, $3  }
0x1: {  	(tag) =	ssettag $0x0;
	lr =	simm.s32 $0x1  }
0x2: {  	[smem:$0x3F9A] =	sst lr;
	_ =	strace $0xD0000000  }
0x3: {  	_ = 	snop  }
0x4: {  	_ = 	snop  }
0x5: {  	_ = 	snop  }
0x6: {  	_ = 	snop  }
0x7: {  	_ = 	snop  }
__scs_overlays_trampoline_lowered:
0x8: {  	[smem:$0x3FA9] =	sst s0  }
0x9: {  	[smem:$0x3FAA] =	sst s1  }
0xa: {  	[smem:$0x3FAB] =	sst s2  }
0xb: {  	[smem:$0x3FAC] =	sst s3  }
0xc: {  	[smem:$0x3FAD] =	sst s4  }
0xd: {  	[smem:$0x3FAE] =	sst s5  }
0xe: {  	[smem:$0x3FAF] =	sst s6  }
0xf: {  	[smem:$0x3FB0] =	sst s7  }
0x10: {  	[smem:$0x3FB1] =	sst s8  }
0x11: {  	[smem:$0x3FB2] =	sst s9;
	s0 =	simm.s32 @!p0 $0x0  }
0x12: {  	s1 =	sld [smem:$0x3F98];
	s0 =	simm.s32 @p0 $0x1  }
0x13: {  	[smem:$0x3FB3] =	sst s0;
	s0 =	simm.s32 @!p1 $0x0  }
0x14: {  	s2 =	sld [smem:$0x3F97];
	s0 =	simm.s32 @p1 $0x1  }
0x15: {  	[smem:$0x3FB4] =	sst s0;
	s0 =	simm.s32 @!p2 $0x0  }
0x16: {  	s3 =	sld [smem:$0x3FDB];
	s0 =	simm.s32 @p2 $0x1  }
0x17: {  	s4 =	simm.s32 $0x1BF5;
	[smem:$0x3FB6] =	sst s0  }
0x18: {  	s0 =	sld [smem:$0x3F99];
	_ =	swait.ge [sflag:s4], $0x0  }
0x19: {  	s7 =	sld [smem:$0x3F9A]  }
0x1a: {  	s8 =	sadd.s32 $0xFFFFE003, lr  }
0x1b: {  	s9 =	sadd.s32 $0xFFFFFEF7, lr;
	s5 =	simm.s32 $0xFFFFFFFF;
	p2 =	slt.u32 s8, $0xFFFFF086  }
0x1c: {  	p1 =	slt.u32 s9, $0xF7A;
	s5 =	simm.s32 @!p2 $0x0  }
0x1d: {  	s5 =	simm.s32 @p1 $0x1;
	p0 =	seq.s32 s7, s2  }
0x1e: {  	s7 =	smul.u32 @!p0 $0xF7A, s2;
	p2 =	seq.s32 @!p0 s5, $0x0  }
0x1f: {  	s9 =	smul.u32 $0xF7A, s1;
	s8 =	simm.s32 @!p0 $0x1BF5;
	p2 =	por !p2, p0  }
0x20: {  	[sflag:s8] =	ssyncset.s32 @!p0 $0xFFFFF086;
	s6 =	sadd.s32 @!p0 s3, s7;
	s7 =	simm.s32 @!p0 $0x108  }
0x21: {  	s3 =	sadd.s32 s3, s9;
	s6 =	sadd.s32 @!p0 $0x88, s6;
	s7 =	simm.s32 @p2 $0x1082  }
0x22: {  	[simem:s7], [sflag:s8] =	dma.local @!p0 [hbm:s6], $0xF7A  }
0x23: {  	s9 =	sor.u32 $0xD0000000, s2;
	s6 =	simm.s32 $0x108;
	_ =	swait.ge @!p0 [sflag:s8], $0x0  }
0x24: {  	s3 =	sadd.s32 $0x88, s3;
	s6 =	simm.s32 @!p1 $0x1082;
	[sflag:s4] =	ssyncset.s32 $0xFFFFF086  }
0x25: {  	[simem:s6], [sflag:s4] =	dma.local [hbm:s3], $0xF7A  }
0x26: {  	[smem:$0x3F9A] =	sst s1;
	(tag) =	ssettag s2;
	_ =	strace s9  }
0x27: {  	s1 =	sld [smem:$0x3FAA]  }
0x28: {  	s2 =	sld [smem:$0x3FAB]  }
0x29: {  	s4 =	sld [smem:$0x3FAD]  }
0x2a: {  	p0 =	seq.s32 s5, $0x0;
	s5 =	sld [smem:$0x3FAE]  }
0x2b: {  	s6 =	sld [smem:$0x3FAF]  }
0x2c: {  	s7 =	sld [smem:$0x3FB0]  }
0x2d: {  	s3 =	simm.s32 $0x108;
	s8 =	sld [smem:$0x3FB1]  }
0x2e: {  	s3 =	simm.s32 @!p0 $0x1082;
	s9 =	sld [smem:$0x3FB2]  }
0x2f: {  	lr =	sadd.s32 s0, s3;
	s0 =	sld [smem:$0x3FA9]  }
0x30: {  	s3 =	sld [smem:$0x3FAC]  }
0x31: {  	[smem:$0x3FB5] =	sst s10  }
0x32: {  	s10 =	sld [smem:$0x3FB3];
	_ =	sdelay $0x3  }
0x33: {  	p0 =	seq.s32 s10, $0x1;
	s10 =	sld [smem:$0x3FB5];
	_ =	sdelay $0x3  }
0x34: {  	[smem:$0x3FB5] =	sst s10  }
0x35: {  	s10 =	sld [smem:$0x3FB4];
	_ =	sdelay $0x3  }
0x36: {  	p1 =	seq.s32 s10, $0x1;
	s10 =	sld [smem:$0x3FB5];
	_ =	sdelay $0x3  }
0x37: {  	[smem:$0x3FB5] =	sst s10  }
0x38: {  	s10 =	sld [smem:$0x3FB6]  }
0x39: {  	_ = 	snop;
	(pc) =	sbr.ind lr, $3  }
0x3a: {  	_ = 	snop  }
0x3b: {  	_ = 	snop  }
0x3c: {  	p2 =	seq.s32 s10, $0x1;
	s10 =	sld [smem:$0x3FB5]  }
0x3d: {  	_ =	shalt  }
0x3e: {  	_ =	shalt  }
0x3f: {  	_ =	shalt  }
0x40: {  	_ =	shalt  }
0x41: {  	_ =	shalt  }
0x42: {  	_ =	shalt  }
0x43: {  	_ =	shalt  }
0x44: {  	_ =	shalt  }
0x45: {  	_ =	shalt  }
0x46: {  	_ =	shalt  }
0x47: {  	_ =	shalt  }
0x48: {  	_ =	shalt  }
0x49: {  	_ =	shalt  }
0x4a: {  	_ =	shalt  }
0x4b: {  	_ =	shalt  }
0x4c: {  	_ =	shalt  }
0x4d: {  	_ =	shalt  }
0x4e: {  	_ =	shalt  }
0x4f: {  	_ =	shalt  }
0x50: {  	_ =	shalt  }
0x51: {  	_ =	shalt  }
0x52: {  	_ =	shalt  }
0x53: {  	_ =	shalt  }
0x54: {  	_ =	shalt  }
0x55: {  	_ =	shalt  }
0x56: {  	_ =	shalt  }
0x57: {  	_ =	shalt  }
0x58: {  	_ =	shalt  }
0x59: {  	_ =	shalt  }
0x5a: {  	_ =	shalt  }
0x5b: {  	_ =	shalt  }
0x5c: {  	_ =	shalt  }
0x5d: {  	_ =	shalt  }
0x5e: {  	_ =	shalt  }
0x5f: {  	_ =	shalt  }
0x60: {  	_ =	shalt  }
0x61: {  	_ =	shalt  }
0x62: {  	_ =	shalt  }
0x63: {  	_ =	shalt  }
0x64: {  	_ =	shalt  }
0x65: {  	_ =	shalt  }
0x66: {  	_ =	shalt  }
0x67: {  	_ =	shalt  }
0x68: {  	_ =	shalt  }
0x69: {  	_ =	shalt  }
0x6a: {  	_ =	shalt  }
0x6b: {  	_ =	shalt  }
0x6c: {  	_ =	shalt  }
0x6d: {  	_ =	shalt  }
0x6e: {  	_ =	shalt  }
0x6f: {  	_ =	shalt  }
0x70: {  	_ =	shalt  }
0x71: {  	_ =	shalt  }
0x72: {  	_ =	shalt  }
0x73: {  	_ =	shalt  }
0x74: {  	_ =	shalt  }
0x75: {  	_ =	shalt  }
0x76: {  	_ =	shalt  }
0x77: {  	_ =	shalt  }
0x78: {  	_ =	shalt  }
0x79: {  	_ =	shalt  }
0x7a: {  	_ =	shalt  }
0x7b: {  	_ =	shalt  }
0x7c: {  	_ =	shalt  }
0x7d: {  	_ =	shalt  }
0x7e: {  	_ =	shalt  }
0x7f: {  	_ =	shalt  }
0x80: {  	_ =	shalt  }
0x81: {  	_ =	shalt  }
0x82: {  	_ =	shalt  }
0x83: {  	_ =	shalt  }
0x84: {  	_ =	shalt  }
0x85: {  	_ =	shalt  }
0x86: {  	_ =	shalt  }
0x87: {  	_ =	shalt  }
.Lfunc_end0:
.L_simem_size_0:
called_computation.1_lowered:
.L_overlay_start_0:
0x88: {  	s2 =	sld [smem:$0x3FD9]  }
0x89: {  	s3 =	sld [smem:$0x3FFE];
	_ =	sdelay $0x1  }
0x8a: {  	s1 =	srdreg.scid  }
0x8b: {  	s0 =	sand.u32 $0x1, s1  }
0x8c: {  	s16 =	sshll.u32 s0, $0xA;
	s2 =	sadd.s32 s3, s2  }
0x8d: {  	s2 =	sadd.s32 s2, s16  }
0x8e: {  	[smem:$0x3FC1] =	sst s2  }
0x8f: {  	_ = 	snop  }
0x90: {  	(tm) =	ssettm $0x1  }
0x91: {  	s17 =	sld [smem:$0x3FFB];
	_ =	sdelay $0x3  }
0x92: {  	_ =	strace s17  }
0x93: {  	s2 =	sld [smem:$0x3FFC];
	_ =	sdelay $0x3  }
0x94: {  	_ =	strace s2  }
0x95: {  	s2 =	sld [smem:$0x3FFD];
	_ =	sdelay $0x3  }
0x96: {  	_ =	strace s2  }
0x97: {  	_ =	strace $0x8FFFFFFF  }
0x98: {  	s18 =	sld [smem:$0x3FDB];
	_ =	sdelay $0x1  }
0x99: {  	s19 =	simm.s32 $_scs_section_size  }
0x9a: {  	s4 =	simm.s32 $_size__tile_overlayer_lowered;
	s5 =	simm.s32 $_tile_overlayer_lowered  }
0x9b: {  	s22 =	simm.s32 $0x1BFF;
	s21 =	sshll.u32 s5, $0x1;
	s2 =	sadd.s32 s19, s18  }
0x9c: {  	s6 =	simm.s32 $0x0;
	s20 =	sshll.u32 s4, $0x1;
	s4 =	sadd.s32 s21, s2  }
0x9d: {  	[timem:s6], [sflag:s22] =	dma.local [hbm:s4], s20  }
0x9e: {  	_ =	swait.ge [sflag:s22], s20  }
0x9f: {  	s3 =	ssub.s32 $0x0, s20;
	[sflag:s22] =	ssyncset.done $0x0  }
0xa0: {  	[sflag:s22] =	ssyncadd.s32 s3;
	_ =	sdelay $0x1  }
0xa1: {  	s23 =	simm.s32 $0x1B8B  }
0xa2: {  	_ =	swait.ge [sflag:s23], $0x1  }
0xa3: {  	[sflag:s23] =	ssyncset.done $0x0  }
0xa4: {  	s25 =	simm.s32 $0x1B8E;
	s24 =	sld [smem:$0x3FFE];
	[sflag:s23] =	ssyncadd.s32 $0xFFFFFFFF  }
0xa5: {  	s26 =	simm.s32 $execute0_lowered;
	[smem:$0x3FD2] =	sst s25  }
0xa6: {  	s4 =	sshll.u32 s26, $0x1;
	_ =	strace $0x80000049;
	[dreg:$0x1] =	wrdreg $0xFFFFFFFF  }
0xa7: {  	s28 =	simm.s32 $_size_execute0_lowered;
	s2 =	sadd.s32 s2, s4;
	[dreg:$0x0] =	wrdreg $0x0  }
0xa8: {  	s4 =	sshll.u32 s28, $0x1;
	[dreg:$0x2] =	wrdreg s2  }
0xa9: {  	[dreg:$0x3] =	wrdreg s4  }
0xaa: {  	[dreg:$0x4] =	wrdreg $0xC0  }
0xab: {  	_ =	task [dreg:s6], $0x5FFFF  }
0xac: {  	[dreg:$0x1] =	wrdreg $0xFFFFFFFF  }
0xad: {  	[dreg:$0x0] =	wrdreg $0x60  }
0xae: {  	[dreg:$0x2] =	wrdreg s24  }
0xaf: {  	[dreg:$0x3] =	wrdreg $0x5F000  }
0xb0: {  	[dreg:$0x4] =	wrdreg $0x9  }
0xb1: {  	_ =	task.clear_ibuf [dreg:s6], $0x5FFFF;
	_ =	strace $0x90000049  }
0xb2: {  	s29 =	simm.s32 $0x9;
	_ =	strace $0x8000004B  }
0xb3: {  	_ =	swait.ge [sflag:s29], $0x1  }
0xb4: {  	[sflag:s29] =	ssyncadd.s32 $0xFFFFFFFF  }
0xb5: {  	_ =	strace $0x9000004B  }
0xb6: {  	_ =	sfence  }
0xb7: {  	s30 =	sld [smem:$0x0];
	_ =	sdelay $0x2  }
0xb8: {  	s31 =	sshll.u32 s1, $0xD;
	s1 =	sshrl.u32 s1, $0x2  }
0xb9: {  	s3 =	sand.u32 $0x4000, s31;
	s1 =	sadd.s32 s1, s30  }
0xba: {  	s0 =	sor.u32 s3, s0;
	s1 =	sshll.u32 s1, $0x11  }
0xbb: {  	s0 =	sor.u32 s1, s0  }
0xbc: {  	s0 =	sadd.s32 $0x8F2B, s0  }
0xbd: {  	[sflag:s0] =	ssyncadd.remote.s32 $0x1  }
0xbe: {  	_ =	sfence.sel $0xFFFF  }
0xbf: {  	[dreg:$0x0] =	wrdreg $0xFFFFFFFF;
	(pc) =	sbr.abs _section_cstart, $3  }
0xc0: {  	[dreg:$0x1] =	wrdreg $0xFFFFFFFF  }
0xc1: {  	_ =	task.clear_ibuf [dreg:s6], $0x2FFFF;
	_ =	strace $0x9FFFFFFF  }
0xc2: {  	(tm) =	ssettm $0x7FFFFFFF  }
0xc3: {  	_ =	shalt  }
tec
execute0_lowered:
.L_overlay_start_1:
0x0: {  	(tag) =	ssettag $0x1  }
0x1: {  	s1 =	srdreg.scid;
	s6 =	rddreg [dreg:$0x0]  }
0x2: {  	s0 =	stileid.u32;
	s2 =	rddreg [dreg:$0x1]  }
0x3: {  	s3 =	simm.s32 $0x0;
	s13 =	simm.s32 $0x80;
	s14 =	simm.s32 $0x4F00  }
0x4: {  	s15 =	simm.s32 $0x5700;
	s16 =	simm.s32 $0x1;
	s17 =	simm.s32 $0x2  }
0x5: {  	s18 =	simm.s32 $0x4E80;
	s5 =	sand.u32 $0x1, s1;
	s1 =	rddreg [dreg:$0x2]  }
0x6: {  	s29 =	sshll.u32 s0, $0x1;
	[smem:$0x7FF] =	sst s3;
	s11 =	smul.u32 $0x2800, s0  }
0x7: {  	s30 =	sshll.u32 s0, $0x6;
	s4 =	sor.u32 s5, s29;
	_ =	strace $0x8000004A  }
0x8: {  	s7 =	smul.u32 $0x5000, s5;
	s9 =	ssub.s32 $0x2, s5;
	s5 =	sadd.s32 $0x15C00, s6  }
0x9: {  	s4 =	smul.u32 $0x4F0, s4;
	s10 =	sshrl.u32 s9, $0x1;
	s31 =	sadd.s32 s11, s2  }
0xa: {  	s20 =	sshrl.u32 s11, $0x3;
	s11 =	simm.s32 $0x3;
	s12 =	sadd.s32 s7, s6  }
0xb: {  	s9 =	ssub.s32 s9, s10;
	s10 =	sshrl.u32 s31, $0x3;
	s8 =	sadd.s32 s4, s6  }
0xc: {  	s4 =	sadd.s32 $0x48E00, s6;
	s6 =	sor.u32 $0x1C03, s30;
	s19 =	sadd.s32 $0x4DE00, s12  }
0xd: {  	s9 =	smax.u32 s9, $0x1;
	s12 =	simm.s32 $0x2780;
	s7 =	sadd.s32 $0x2000, s8  }
0xe: {  	s8 =	sadd.s32 $0xBE00, s8;
	s19 =	sadd.s32 s20, s19;
	s20 =	simm.s32 $0x0  }
.LBB2_1:
0xf: {  	[spmem:s10], [sflag:s6] =	dma.local [hbm:s5], $0x500  }
0x10: {  	_ =	swait.ge [sflag:s11], $0x500  }
0x11: {  	[sflag:s11] =	ssyncset.done $0x0  }
0x12: {  	[sflag:s11] =	ssyncadd.s32 $0xFFFFFB00  }
0x13: {  	[tilespmem:s3], [sflag:$0x3] =	stream.linear.gather [hbm4b:s7+s3], $0x2780, $0x38;
	[tilespmem:$0x8700] =	vst v63  }
0x14: {  	_ =	swait.ge [sflag:s11], $0x2780  }
0x15: {  	[sflag:s11] =	ssyncset.done $0x0  }
0x16: {  	[sflag:s11] =	ssyncadd.s32 $0xFFFFD880  }
0x17: {  	[tilespmem:s12], [sflag:$0x3] =	stream.linear.gather [hbm4b:s8+s3], $0x2780, $0x38;
	[tilespmem:$0x8700] =	vst v63  }
0x18: {  	_ =	swait.ge [sflag:s11], $0x2780  }
0x19: {  	[sflag:s11] =	ssyncset.done $0x0  }
0x1a: {  	[sflag:s11] =	ssyncadd.s32 $0xFFFFD880  }
0x1b: {  	[bflag:$0x0] =	sbarrier.arrive $0xFFFF  }
0x1c: {  	[tilespmem:s14], [sflag:$0x1] =	stream.indirect.gather [hbm4b:s4+s13], $0x10, s3, s13, $0xb8;
	[tilespmem:$0x8700] =	vst v63  }
0x1d: {  	s21 =	simm.s32 $0x80  }
0x1e: {  	[tilespmem:s15], [sflag:$0x2] =	stream.indirect.gather [hbm4b:s4+s13], $0x10, s21, s13, $0xb8;
	[tilespmem:$0x8700] =	vst v63  }
0x1f: {  	_ =	swait.ge [sflag:s16], $0x800  }
0x20: {  	[sflag:s16] =	ssyncset.done $0x0  }
0x21: {  	s29 =	simm.s32 $0x2780;
	[sflag:s16] =	ssyncadd.s32 $0xFFFFF800  }
0x22: {  	[spmem:s2] =	stream.indirect.scatter.add.f32 [tilespmem:s14], [sflag:$0x3], $0x10, s29, s13, $0xb8;
	[tilespmem:$0x8700] =	vst v63  }
0x23: {  	_ =	swait.ge [sflag:s11], $0x800  }
0x24: {  	[sflag:s11] =	ssyncset.done $0x0  }
0x25: {  	s30 =	simm.s32 $0x100;
	[sflag:s11] =	ssyncadd.s32 $0xFFFFF800  }
0x26: {  	[tilespmem:s14], [sflag:$0x1] =	stream.indirect.gather [hbm4b:s4+s13], $0x10, s30, s13, $0xb8;
	[tilespmem:$0x8700] =	vst v63  }
0x27: {  	_ =	swait.ge [sflag:s17], $0x800  }
0x28: {  	[sflag:s17] =	ssyncset.done $0x0  }
0x29: {  	s31 =	simm.s32 $0x2800;
	[sflag:s17] =	ssyncadd.s32 $0xFFFFF800  }
0x2a: {  	[spmem:s2] =	stream.indirect.scatter.add.f32 [tilespmem:s15], [sflag:$0x3], $0x10, s31, s13, $0xb8;
	[tilespmem:$0x8700] =	vst v63  }
0x2b: {  	_ =	swait.ge [sflag:s11], $0x800  }
0x2c: {  	s22 =	simm.s32 $0x800;
	s21 =	simm.s32 $0x100;
	[sflag:s11] =	ssyncset.done $0x0  }
.LBB2_2:
0x2d: {  	s23 =	sadd.s32 $0x80, s21  }
0x2e: {  	[sflag:s11] =	ssyncadd.s32 $0xFFFFF800;
	s24 =	smov.u32 s22;
	s25 =	sadd.s32 $0x400, s22  }
0x2f: {  	[tilespmem:s15], [sflag:$0x2] =	stream.indirect.gather [hbm4b:s4+s13], $0x10, s23, s13, $0xb8;
	[tilespmem:$0x8700] =	vst v63  }
0x30: {  	p0 =	sne.s32 s22, $0x9800;
	_ =	swait.ge [sflag:s16], $0x800  }
0x31: {  	[sflag:s16] =	ssyncset.done $0x0  }
0x32: {  	s22 =	sadd.s32 $0x2780, s21;
	[sflag:s16] =	ssyncadd.s32 $0xFFFFF800  }
0x33: {  	[spmem:s2] =	stream.indirect.scatter.add.f32 [tilespmem:s14], [sflag:$0x3], $0x10, s22, s13, $0xb8;
	[tilespmem:$0x8700] =	vst v63  }
0x34: {  	_ =	swait.ge [sflag:s11], $0x800  }
0x35: {  	[sflag:s11] =	ssyncset.done $0x0  }
0x36: {  	s22 =	sadd.s32 $0x100, s21;
	[sflag:s11] =	ssyncadd.s32 $0xFFFFF800  }
0x37: {  	[tilespmem:s14], [sflag:$0x1] =	stream.indirect.gather [hbm4b:s4+s13], $0x10, s22, s13, $0xb8;
	[tilespmem:$0x8700] =	vst v63  }
0x38: {  	_ =	swait.ge [sflag:s17], $0x800  }
.Ltmp0:
0x39: {  	[sflag:s17] =	ssyncset.done $0x0;
	(pc) =	sbr.rel @p0 .LBB2_2-.Ltmp0, $4  }
0x3a: {  	s21 =	sadd.s32 $0x2800, s21;
	[sflag:s17] =	ssyncadd.s32 $0xFFFFF800  }
0x3b: {  	[spmem:s2] =	stream.indirect.scatter.add.f32 [tilespmem:s15], [sflag:$0x3], $0x10, s21, s13, $0xb8;
	[tilespmem:$0x8700] =	vst v63  }
0x3c: {  	_ =	swait.ge [sflag:s11], $0x800  }
0x3d: {  	s22 =	smov.u32 s25;
	s21 =	sshra.s32 s24, $0x2;
	[sflag:s11] =	ssyncset.done $0x0  }
0x3e: {  	s22 =	sadd.s32 $0x80, s21;
	[sflag:s11] =	ssyncadd.s32 $0xFFFFF800  }
0x3f: {  	[tilespmem:s15], [sflag:$0x2] =	stream.indirect.gather [hbm4b:s4+s13], $0x10, s22, s13, $0xb8;
	[tilespmem:$0x8700] =	vst v63  }
0x40: {  	_ =	swait.ge [sflag:s16], $0x800  }
0x41: {  	[sflag:s16] =	ssyncset.done $0x0  }
0x42: {  	s29 =	sadd.s32 $0x2780, s21;
	[sflag:s16] =	ssyncadd.s32 $0xFFFFF800  }
0x43: {  	[spmem:s2] =	stream.indirect.scatter.add.f32 [tilespmem:s14], [sflag:$0x3], $0x10, s29, s13, $0xb8;
	[tilespmem:$0x8700] =	vst v63  }
0x44: {  	_ =	swait.ge [sflag:s11], $0x800  }
0x45: {  	[sflag:s11] =	ssyncset.done $0x0  }
0x46: {  	s30 =	sadd.s32 $0x100, s21;
	[sflag:s11] =	ssyncadd.s32 $0xFFFFF800  }
0x47: {  	[tilespmem:s14], [sflag:$0x1] =	stream.indirect.gather [hbm4b:s4+s13], $0x10, s30, s13, $0xb8;
	[tilespmem:$0x8700] =	vst v63  }
0x48: {  	_ =	swait.ge [sflag:s17], $0x800  }
0x49: {  	[sflag:s17] =	ssyncset.done $0x0  }
0x4a: {  	s31 =	sadd.s32 $0x2800, s21;
	[sflag:s17] =	ssyncadd.s32 $0xFFFFF800  }
0x4b: {  	[spmem:s2] =	stream.indirect.scatter.add.f32 [tilespmem:s15], [sflag:$0x3], $0x10, s31, s13, $0xb8;
	[tilespmem:$0x8700] =	vst v63  }
0x4c: {  	_ =	swait.ge [sflag:s11], $0x800  }
0x4d: {  	[sflag:s11] =	ssyncset.done $0x0  }
0x4e: {  	[sflag:s11] =	ssyncadd.s32 $0xFFFFF800  }
0x4f: {  	_ =	swait.ge [sflag:s16], $0x800  }
0x50: {  	[sflag:s16] =	ssyncset.done $0x0  }
0x51: {  	[sflag:s16] =	ssyncadd.s32 $0xFFFFF800  }
0x52: {  	[spmem:s2] =	stream.indirect.scatter.add.f32 [tilespmem:s14], [sflag:$0x3], $0x10, s18, s13, $0xb8;
	[tilespmem:$0x8700] =	vst v63  }
0x53: {  	_ =	swait.ge [sflag:s11], $0x800  }
0x54: {  	s20 =	sadd.s32 $0x1, s20;
	[sflag:s11] =	ssyncset.done $0x0  }
0x55: {  	p0 =	sne.s32 s20, s9;
	[sflag:s11] =	ssyncadd.s32 $0xFFFFF800  }
.Ltmp1:
0x56: {  	[bflag:$0x0] =	sbarrier.arrive $0xFFFF;
	(pc) =	sbr.rel @p0 .LBB2_1-.Ltmp1, $4  }
0x57: {  	[hbm:s19], [sflag:s6] =	dma.local [spmem:s10], $0x500  }
0x58: {  	_ =	swait.ge [sflag:s11], $0x500  }
0x59: {  	[sflag:s11] =	ssyncset.done $0x0  }
0x5a: {  	[sflag:s11] =	ssyncadd.s32 $0xFFFFFB00  }
0x5b: {  	_ =	sfence.sel $0x180000  }
0x5c: {  	[bflag:$0x0] =	sbarrier.arrive $0xFFFF  }
0x5d: {  	p0 =	sne.s32 s0, $0x0;
	_ =	strace $0x9000004A  }
0x5e: {  	s0 =	sadd.s32 @!p0 $0x100000, s1;
	[bflag:$0x2] =	sbarrier.arrive $0xFFFF  }
0x5f: {  	[sflag:s0] =	ssyncadd.tile.s32 @!p0 $0x1;
	_ =	shalt  }
.Lfunc_end2:
_tile_overlayer_lowered:
.L_overlay_start_2:
0x60: {  	(tag) =	ssettag $0x2  }
0x61: {  	s0 =	rddreg [dreg:$0x0];
	s2 =	stileid.u32  }
0x62: {  	s1 =	rddreg [dreg:$0x1];
	p0 =	sne.s32 s2, $0x0  }
0x63: {  	s3 =	rddreg [dreg:$0x2];
	[bflag:$0x3] =	sbarrier.arrive $0xFFFF;
	s2 =	simm.s32 @!p0 $0x1C03  }
0x64: {  	[timem:s3], [sflag:s2] =	dma.local @!p0 [hbm:s0], s1  }
0x65: {  	s0 =	simm.s32 @!p0 $0x3  }
0x66: {  	_ =	swait.ge @!p0 [sflag:s0], s1  }
0x67: {  	s1 =	ssub.s32 @!p0 $0x0, s1;
	[sflag:s0] =	ssyncset.done @!p0 $0x0  }
0x68: {  	[sflag:s0] =	ssyncadd.s32 @!p0 s1  }
0x69: {  	[bflag:$0x3] =	sbarrier.arrive $0xFFFF  }
0x6a: {  	_ =	shalt  }

// kernel: kernel.14.cloned.1.call-start
scs
__scs_entry_jumppad:
0x0: {  	(pc) =	sbr.rel $0x88, $3  }
0x1: {  	(tag) =	ssettag $0x0;
	lr =	simm.s32 $0x1  }
0x2: {  	[smem:$0x3F9A] =	sst lr;
	_ =	strace $0xD0000000  }
0x3: {  	_ = 	snop  }
0x4: {  	_ = 	snop  }
0x5: {  	_ = 	snop  }
0x6: {  	_ = 	snop  }
0x7: {  	_ = 	snop  }
__scs_overlays_trampoline_lowered:
0x8: {  	[smem:$0x3FA9] =	sst s0  }
0x9: {  	[smem:$0x3FAA] =	sst s1  }
0xa: {  	[smem:$0x3FAB] =	sst s2  }
0xb: {  	[smem:$0x3FAC] =	sst s3  }
0xc: {  	[smem:$0x3FAD] =	sst s4  }
0xd: {  	[smem:$0x3FAE] =	sst s5  }
0xe: {  	[smem:$0x3FAF] =	sst s6  }
0xf: {  	[smem:$0x3FB0] =	sst s7  }
0x10: {  	[smem:$0x3FB1] =	sst s8  }
0x11: {  	[smem:$0x3FB2] =	sst s9;
	s0 =	simm.s32 @!p0 $0x0  }
0x12: {  	s1 =	sld [smem:$0x3F98];
	s0 =	simm.s32 @p0 $0x1  }
0x13: {  	[smem:$0x3FB3] =	sst s0;
	s0 =	simm.s32 @!p1 $0x0  }
0x14: {  	s2 =	sld [smem:$0x3F97];
	s0 =	simm.s32 @p1 $0x1  }
0x15: {  	[smem:$0x3FB4] =	sst s0;
	s0 =	simm.s32 @!p2 $0x0  }
0x16: {  	s3 =	sld [smem:$0x3FDB];
	s0 =	simm.s32 @p2 $0x1  }
0x17: {  	s4 =	simm.s32 $0x1BF5;
	[smem:$0x3FB6] =	sst s0  }
0x18: {  	s0 =	sld [smem:$0x3F99];
	_ =	swait.ge [sflag:s4], $0x0  }
0x19: {  	s7 =	sld [smem:$0x3F9A]  }
0x1a: {  	s8 =	sadd.s32 $0xFFFFE003, lr  }
0x1b: {  	s9 =	sadd.s32 $0xFFFFFEF7, lr;
	s5 =	simm.s32 $0xFFFFFFFF;
	p2 =	slt.u32 s8, $0xFFFFF086  }
0x1c: {  	p1 =	slt.u32 s9, $0xF7A;
	s5 =	simm.s32 @!p2 $0x0  }
0x1d: {  	s5 =	simm.s32 @p1 $0x1;
	p0 =	seq.s32 s7, s2  }
0x1e: {  	s7 =	smul.u32 @!p0 $0xF7A, s2;
	p2 =	seq.s32 @!p0 s5, $0x0  }
0x1f: {  	s9 =	smul.u32 $0xF7A, s1;
	s8 =	simm.s32 @!p0 $0x1BF5;
	p2 =	por !p2, p0  }
0x20: {  	[sflag:s8] =	ssyncset.s32 @!p0 $0xFFFFF086;
	s6 =	sadd.s32 @!p0 s3, s7;
	s7 =	simm.s32 @!p0 $0x108  }
0x21: {  	s3 =	sadd.s32 s3, s9;
	s6 =	sadd.s32 @!p0 $0x88, s6;
	s7 =	simm.s32 @p2 $0x1082  }
0x22: {  	[simem:s7], [sflag:s8] =	dma.local @!p0 [hbm:s6], $0xF7A  }
0x23: {  	s9 =	sor.u32 $0xD0000000, s2;
	s6 =	simm.s32 $0x108;
	_ =	swait.ge @!p0 [sflag:s8], $0x0  }
0x24: {  	s3 =	sadd.s32 $0x88, s3;
	s6 =	simm.s32 @!p1 $0x1082;
	[sflag:s4] =	ssyncset.s32 $0xFFFFF086  }
0x25: {  	[simem:s6], [sflag:s4] =	dma.local [hbm:s3], $0xF7A  }
0x26: {  	[smem:$0x3F9A] =	sst s1;
	(tag) =	ssettag s2;
	_ =	strace s9  }
0x27: {  	s1 =	sld [smem:$0x3FAA]  }
0x28: {  	s2 =	sld [smem:$0x3FAB]  }
0x29: {  	s4 =	sld [smem:$0x3FAD]  }
0x2a: {  	p0 =	seq.s32 s5, $0x0;
	s5 =	sld [smem:$0x3FAE]  }
0x2b: {  	s6 =	sld [smem:$0x3FAF]  }
0x2c: {  	s7 =	sld [smem:$0x3FB0]  }
0x2d: {  	s3 =	simm.s32 $0x108;
	s8 =	sld [smem:$0x3FB1]  }
0x2e: {  	s3 =	simm.s32 @!p0 $0x1082;
	s9 =	sld [smem:$0x3FB2]  }
0x2f: {  	lr =	sadd.s32 s0, s3;
	s0 =	sld [smem:$0x3FA9]  }
0x30: {  	s3 =	sld [smem:$0x3FAC]  }
0x31: {  	[smem:$0x3FB5] =	sst s10  }
0x32: {  	s10 =	sld [smem:$0x3FB3];
	_ =	sdelay $0x3  }
0x33: {  	p0 =	seq.s32 s10, $0x1;
	s10 =	sld [smem:$0x3FB5];
	_ =	sdelay $0x3  }
0x34: {  	[smem:$0x3FB5] =	sst s10  }
0x35: {  	s10 =	sld [smem:$0x3FB4];
	_ =	sdelay $0x3  }
0x36: {  	p1 =	seq.s32 s10, $0x1;
	s10 =	sld [smem:$0x3FB5];
	_ =	sdelay $0x3  }
0x37: {  	[smem:$0x3FB5] =	sst s10  }
0x38: {  	s10 =	sld [smem:$0x3FB6]  }
0x39: {  	_ = 	snop;
	(pc) =	sbr.ind lr, $3  }
0x3a: {  	_ = 	snop  }
0x3b: {  	_ = 	snop  }
0x3c: {  	p2 =	seq.s32 s10, $0x1;
	s10 =	sld [smem:$0x3FB5]  }
0x3d: {  	_ =	shalt  }
0x3e: {  	_ =	shalt  }
0x3f: {  	_ =	shalt  }
0x40: {  	_ =	shalt  }
0x41: {  	_ =	shalt  }
0x42: {  	_ =	shalt  }
0x43: {  	_ =	shalt  }
0x44: {  	_ =	shalt  }
0x45: {  	_ =	shalt  }
0x46: {  	_ =	shalt  }
0x47: {  	_ =	shalt  }
0x48: {  	_ =	shalt  }
0x49: {  	_ =	shalt  }
0x4a: {  	_ =	shalt  }
0x4b: {  	_ =	shalt  }
0x4c: {  	_ =	shalt  }
0x4d: {  	_ =	shalt  }
0x4e: {  	_ =	shalt  }
0x4f: {  	_ =	shalt  }
0x50: {  	_ =	shalt  }
0x51: {  	_ =	shalt  }
0x52: {  	_ =	shalt  }
0x53: {  	_ =	shalt  }
0x54: {  	_ =	shalt  }
0x55: {  	_ =	shalt  }
0x56: {  	_ =	shalt  }
0x57: {  	_ =	shalt  }
0x58: {  	_ =	shalt  }
0x59: {  	_ =	shalt  }
0x5a: {  	_ =	shalt  }
0x5b: {  	_ =	shalt  }
0x5c: {  	_ =	shalt  }
0x5d: {  	_ =	shalt  }
0x5e: {  	_ =	shalt  }
0x5f: {  	_ =	shalt  }
0x60: {  	_ =	shalt  }
0x61: {  	_ =	shalt  }
0x62: {  	_ =	shalt  }
0x63: {  	_ =	shalt  }
0x64: {  	_ =	shalt  }
0x65: {  	_ =	shalt  }
0x66: {  	_ =	shalt  }
0x67: {  	_ =	shalt  }
0x68: {  	_ =	shalt  }
0x69: {  	_ =	shalt  }
0x6a: {  	_ =	shalt  }
0x6b: {  	_ =	shalt  }
0x6c: {  	_ =	shalt  }
0x6d: {  	_ =	shalt  }
0x6e: {  	_ =	shalt  }
0x6f: {  	_ =	shalt  }
0x70: {  	_ =	shalt  }
0x71: {  	_ =	shalt  }
0x72: {  	_ =	shalt  }
0x73: {  	_ =	shalt  }
0x74: {  	_ =	shalt  }
0x75: {  	_ =	shalt  }
0x76: {  	_ =	shalt  }
0x77: {  	_ =	shalt  }
0x78: {  	_ =	shalt  }
0x79: {  	_ =	shalt  }
0x7a: {  	_ =	shalt  }
0x7b: {  	_ =	shalt  }
0x7c: {  	_ =	shalt  }
0x7d: {  	_ =	shalt  }
0x7e: {  	_ =	shalt  }
0x7f: {  	_ =	shalt  }
0x80: {  	_ =	shalt  }
0x81: {  	_ =	shalt  }
0x82: {  	_ =	shalt  }
0x83: {  	_ =	shalt  }
0x84: {  	_ =	shalt  }
0x85: {  	_ =	shalt  }
0x86: {  	_ =	shalt  }
0x87: {  	_ =	shalt  }
.Lfunc_end0:
.L_simem_size_0:
called_computation.2_lowered:
.L_overlay_start_0:
0x88: {  	s2 =	sld [smem:$0x3FD9]  }
0x89: {  	s3 =	sld [smem:$0x3FFE];
	_ =	sdelay $0x1  }
0x8a: {  	s1 =	srdreg.scid  }
0x8b: {  	s0 =	sand.u32 $0x1, s1  }
0x8c: {  	s16 =	sshll.u32 s0, $0xA;
	s2 =	sadd.s32 s3, s2  }
0x8d: {  	s2 =	sadd.s32 s2, s16  }
0x8e: {  	[smem:$0x3FC1] =	sst s2  }
0x8f: {  	_ = 	snop  }
0x90: {  	(tm) =	ssettm $0x1  }
0x91: {  	s17 =	sld [smem:$0x3FFB];
	_ =	sdelay $0x3  }
0x92: {  	_ =	strace s17  }
0x93: {  	s2 =	sld [smem:$0x3FFC];
	_ =	sdelay $0x3  }
0x94: {  	_ =	strace s2  }
0x95: {  	s2 =	sld [smem:$0x3FFD];
	_ =	sdelay $0x3  }
0x96: {  	_ =	strace s2  }
0x97: {  	_ =	strace $0x8FFFFFFF  }
0x98: {  	s18 =	sld [smem:$0x3FDB];
	_ =	sdelay $0x1  }
0x99: {  	s19 =	simm.s32 $_scs_section_size  }
0x9a: {  	s4 =	simm.s32 $_size__tile_overlayer_lowered;
	s5 =	simm.s32 $_tile_overlayer_lowered  }
0x9b: {  	s22 =	simm.s32 $0x1BFF;
	s21 =	sshll.u32 s5, $0x1;
	s2 =	sadd.s32 s19, s18  }
0x9c: {  	s6 =	simm.s32 $0x0;
	s20 =	sshll.u32 s4, $0x1;
	s4 =	sadd.s32 s21, s2  }
0x9d: {  	[timem:s6], [sflag:s22] =	dma.local [hbm:s4], s20  }
0x9e: {  	_ =	swait.ge [sflag:s22], s20  }
0x9f: {  	s3 =	ssub.s32 $0x0, s20;
	[sflag:s22] =	ssyncset.done $0x0  }
0xa0: {  	[sflag:s22] =	ssyncadd.s32 s3;
	_ =	sdelay $0x1  }
0xa1: {  	s23 =	simm.s32 $0x1B8B  }
0xa2: {  	_ =	swait.ge [sflag:s23], $0x1  }
0xa3: {  	[sflag:s23] =	ssyncset.done $0x0  }
0xa4: {  	s25 =	simm.s32 $0x1B8E;
	s24 =	sld [smem:$0x3FFE];
	[sflag:s23] =	ssyncadd.s32 $0xFFFFFFFF  }
0xa5: {  	s26 =	simm.s32 $execute0_lowered;
	[smem:$0x3FD2] =	sst s25  }
0xa6: {  	s4 =	sshll.u32 s26, $0x1;
	_ =	strace $0x8000004C;
	[dreg:$0x1] =	wrdreg $0xFFFFFFFF  }
0xa7: {  	s28 =	simm.s32 $_size_execute0_lowered;
	s2 =	sadd.s32 s2, s4;
	[dreg:$0x0] =	wrdreg $0x0  }
0xa8: {  	s4 =	sshll.u32 s28, $0x1;
	[dreg:$0x2] =	wrdreg s2  }
0xa9: {  	[dreg:$0x3] =	wrdreg s4  }
0xaa: {  	[dreg:$0x4] =	wrdreg $0xC0  }
0xab: {  	_ =	task [dreg:s6], $0x5FFFF  }
0xac: {  	[dreg:$0x1] =	wrdreg $0xFFFFFFFF  }
0xad: {  	[dreg:$0x0] =	wrdreg $0x60  }
0xae: {  	[dreg:$0x2] =	wrdreg s24  }
0xaf: {  	[dreg:$0x3] =	wrdreg $0x19900  }
0xb0: {  	[dreg:$0x4] =	wrdreg $0x9  }
0xb1: {  	_ =	task.clear_ibuf [dreg:s6], $0x5FFFF;
	_ =	strace $0x9000004C  }
0xb2: {  	s29 =	simm.s32 $0x9;
	_ =	strace $0x8000004E  }
0xb3: {  	_ =	swait.ge [sflag:s29], $0x1  }
0xb4: {  	[sflag:s29] =	ssyncadd.s32 $0xFFFFFFFF  }
0xb5: {  	_ =	strace $0x9000004E  }
0xb6: {  	_ =	sfence  }
0xb7: {  	s30 =	sld [smem:$0x0];
	_ =	sdelay $0x2  }
0xb8: {  	s31 =	sshll.u32 s1, $0xD;
	s1 =	sshrl.u32 s1, $0x2  }
0xb9: {  	s3 =	sand.u32 $0x4000, s31;
	s1 =	sadd.s32 s1, s30  }
0xba: {  	s0 =	sor.u32 s3, s0;
	s1 =	sshll.u32 s1, $0x11  }
0xbb: {  	s0 =	sor.u32 s1, s0  }
0xbc: {  	s0 =	sadd.s32 $0x8F2B, s0  }
0xbd: {  	[sflag:s0] =	ssyncadd.remote.s32 $0x1  }
0xbe: {  	_ =	sfence.sel $0xFFFF  }
0xbf: {  	[dreg:$0x0] =	wrdreg $0xFFFFFFFF;
	(pc) =	sbr.abs _section_cstart, $3  }
0xc0: {  	[dreg:$0x1] =	wrdreg $0xFFFFFFFF  }
0xc1: {  	_ =	task.clear_ibuf [dreg:s6], $0x2FFFF;
	_ =	strace $0x9FFFFFFF  }
0xc2: {  	(tm) =	ssettm $0x7FFFFFFF  }
0xc3: {  	_ =	shalt  }
tec
execute0_lowered:
.L_overlay_start_1:
0x0: {  	(tag) =	ssettag $0x1  }
0x1: {  	s1 =	srdreg.scid  }
0x2: {  	s0 =	stileid.u32;
	s6 =	rddreg [dreg:$0x0]  }
0x3: {  	s2 =	rddreg [dreg:$0x1];
	s3 =	simm.s32 $0x0;
	s15 =	simm.s32 $0x190  }
0x4: {  	s16 =	simm.s32 $0x1;
	s7 =	sand.u32 $0x1, s1;
	s1 =	rddreg [dreg:$0x2]  }
0x5: {  	s17 =	simm.s32 $0x110;
	s30 =	sshll.u32 s0, $0x1;
	[smem:$0x7FF] =	sst s3  }
0x6: {  	s11 =	smul.u32 $0x300, s0;
	s12 =	sshll.u32 s0, $0x6;
	s4 =	sor.u32 s7, s30  }
0x7: {  	_ =	strace $0x8000004D;
	s10 =	smul.u32 $0x600, s7;
	s7 =	ssub.s32 $0x2, s7  }
0x8: {  	s5 =	smul.u32 $0x500, s4;
	s4 =	sshll.u32 s4, $0x1;
	s31 =	sshrl.u32 s7, $0x1  }
0x9: {  	s14 =	sadd.s32 s11, s2;
	s19 =	sshrl.u32 s11, $0x3;
	s11 =	simm.s32 $0x2  }
0xa: {  	s9 =	sadd.s32 s4, s6;
	s4 =	sadd.s32 $0x2000, s6;
	s10 =	sadd.s32 s10, s6  }
.Ltmp0:
0xb: {  	s13 =	ssub.s32 s7, s31;
	s8 =	sadd.s32 s5, s6;
	(pc) =	sbr.rel .LBB2_1-.Ltmp0, $4  }
0xc: {  	s5 =	sadd.s32 $0x11000, s6;
	s6 =	sor.u32 $0x1C02, s12;
	s7 =	sadd.s32 $0x20C00, s9  }
0xd: {  	s18 =	sadd.s32 $0x12000, s10;
	s9 =	smax.u32 s13, $0x1;
	s10 =	sshrl.u32 s14, $0x3  }
0xe: {  	s12 =	simm.s32 $0x10;
	s13 =	simm.s32 $0x80;
	s14 =	simm.s32 $0x90  }
0xf: {  	s8 =	sadd.s32 $0x16C00, s8;
	s18 =	sadd.s32 s19, s18;
	s19 =	simm.s32 $0x0  }
.LBB2_4:
0x10: {  	[tilespmem:$0x160] =	vst v7  }
0x11: {  	[tilespmem:$0x110] =	vst v4  }
0x12: {  	[tilespmem:$0x120] =	vst v2  }
0x13: {  	[tilespmem:$0xE0] =	vst v6  }
0x14: {  	[tilespmem:$0x150] =	vst v5  }
0x15: {  	[tilespmem:$0xC0] =	vst v3  }
0x16: {  	[tilespmem:$0xA0] =	vst v0  }
0x17: {  	[tilespmem:$0x90] =	vst v1  }
0x18: {  	[tilespmem:s15], [sflag:$0x1] =	stream.indirect.gather [hbm4b:s4+s13], $0x30, s14, s13, $0xb8;
	[tilespmem:$0x1C90] =	vst v63  }
0x19: {  	_ =	swait.ge [sflag:s16], $0x1800  }
0x1a: {  	[sflag:s16] =	ssyncset.done $0x0  }
0x1b: {  	[sflag:s16] =	ssyncadd.s32 $0xFFFFE800  }
0x1c: {  	[spmem:s2] =	stream.indirect.scatter.add.f32 [tilespmem:s15], [sflag:$0x2], $0x30, s17, s13, $0xb8;
	[tilespmem:$0x1C90] =	vst v63  }
0x1d: {  	_ =	swait.ge [sflag:s11], $0x1800  }
0x1e: {  	[sflag:s11] =	ssyncset.done $0x0  }
0x1f: {  	[sflag:s11] =	ssyncadd.s32 $0xFFFFE800  }
.LBB2_5:
0x20: {  	s19 =	sadd.s32 $0x1, s19  }
0x21: {  	p0 =	sne.s32 s19, s9  }
.Ltmp1:
0x22: {  	[bflag:$0x0] =	sbarrier.arrive $0xFFFF;
	(pc) =	sbr.rel @!p0 .LBB2_6-.Ltmp1, $4  }
0x23: {  	[hbm:s18], [sflag:s6] =	dma.local [spmem:s10], $0x60  }
0x24: {  	_ =	swait.ge [sflag:s11], $0x60  }
0x25: {  	[sflag:s11] =	ssyncset.done $0x0  }
0x26: {  	[sflag:s11] =	ssyncadd.s32 $0xFFFFFFA0  }
.LBB2_1:
0x27: {  	[spmem:s10], [sflag:s6] =	dma.local [hbm:s5], $0x60  }
0x28: {  	_ =	swait.ge [sflag:s11], $0x60  }
0x29: {  	[sflag:s11] =	ssyncset.done $0x0  }
0x2a: {  	[sflag:s11] =	ssyncadd.s32 $0xFFFFFFA0  }
0x2b: {  	[tilespmem:s3], [sflag:$0x2] =	stream.linear.gather [hbm4b:s7+s3], $0x10, $0x38;
	[tilespmem:$0x1C90] =	vst v63  }
0x2c: {  	_ =	swait.ge [sflag:s11], $0x10  }
0x2d: {  	[sflag:s11] =	ssyncset.done $0x0  }
0x2e: {  	[sflag:s11] =	ssyncadd.s32 $0xFFFFFFF0  }
0x2f: {  	[bflag:$0x0] =	sbarrier.arrive $0xFFFF  }
0x30: {  	v0 =	vld [tilespmem:$0x0];
	_ =	sdelay $0x4  }
0x31: {  	(v2sf) =	vpush v0, $0x0;
	_ =	sdelay $0xe  }
0x32: {  	s20 =	spop (v2sf)  }
0x33: {  	s20 =	sadd.s32 $0x7F, s20  }
0x34: {  	p0 =	slt.s32 s20, $0x80  }
.Ltmp2:
0x35: {  	_ = 	snop;
	(pc) =	sbr.rel @p0 .LBB2_5-.Ltmp2, $1  }
0x36: {  	_ =	sdelay $0x3  }
0x37: {  	[tilespmem:s12], [sflag:$0x2] =	stream.linear.gather [hbm4b:s8+s3], $0x80, $0x38;
	[tilespmem:$0x1C90] =	vst v63  }
0x38: {  	_ =	swait.ge [sflag:s11], $0x80  }
0x39: {  	[sflag:s11] =	ssyncset.done $0x0  }
0x3a: {  	[sflag:s11] =	ssyncadd.s32 $0xFFFFFF80  }
0x3b: {  	v0 =	vld [tilespmem:$0x80];
	_ =	sdelay $0x1  }
0x3c: {  	v1 =	vld [tilespmem:$0x70]  }
0x3d: {  	v2 =	vld [tilespmem:$0x30]  }
0x3e: {  	s21 =	sshra.s32 s20, $0x1F;
	v6 =	vld [tilespmem:$0x40]  }
0x3f: {  	s21 =	sshrl.u32 s21, $0x19;
	v3 =	vld [tilespmem:$0x20];
	v5 =	vand.u32 $0x3FFFF, v0  }
0x40: {  	s31 =	sadd.s32 s21, s20;
	v4 =	vld [tilespmem:$0x10];
	v0 =	vshrl.u32 v0, $0x12;
	[tilespmem:$0x100] =	vst v5  }
0x41: {  	s20 =	sshra.s32 s31, $0x7;
	v7 =	vand.u32 $0x3FFFF, v1;
	v5 =	vld [tilespmem:$0x50];
	[tilespmem:$0x180] =	vst v0  }
0x42: {  	v8 =	vld [tilespmem:$0x60];
	p0 =	sne.s32 s20, $0x1;
	v1 =	vshrl.u32 v1, $0x12;
	[tilespmem:$0xF0] =	vst v7  }
.Ltmp3:
0x43: {  	v9 =	vshrl.u32 v6, $0x12;
	[tilespmem:$0x170] =	vst v1;
	(pc) =	sbr.rel @!p0 .LBB2_4-.Ltmp3, $4  }
0x44: {  	v0 =	vand.u32 $0x3FFFF, v2;
	v7 =	vshrl.u32 v2, $0x12;
	[tilespmem:$0x140] =	vst v9  }
0x45: {  	v2 =	vshrl.u32 v3, $0x12;
	v1 =	vand.u32 $0x3FFFF, v4;
	v4 =	vshrl.u32 v4, $0x12;
	[tilespmem:$0xB0] =	vst v0  }
0x46: {  	v0 =	vand.u32 $0x3FFFF, v3;
	[tilespmem:$0x130] =	vst v7;
	v3 =	vand.u32 $0x3FFFF, v6;
	v10 =	vand.u32 $0x3FFFF, v5  }
0x47: {  	s21 =	smov.u32 s8;
	s20 =	sadd.s32 $0xFFFFFFFF, s20;
	v6 =	vand.u32 $0x3FFFF, v8;
	v7 =	vshrl.u32 v8, $0x12;
	v5 =	vshrl.u32 v5, $0x12;
	[tilespmem:$0xD0] =	vst v10  }
.LBB2_3:
0x48: {  	p0 =	sne.s32 s20, $0x1;
	s20 =	sadd.s32 $0xFFFFFFFF, s20;
	[tilespmem:$0x160] =	vst v7;
	s21 =	sadd.s32 $0x10, s21  }
0x49: {  	[tilespmem:$0x110] =	vst v4  }
0x4a: {  	[tilespmem:$0x120] =	vst v2  }
0x4b: {  	[tilespmem:$0xE0] =	vst v6  }
0x4c: {  	[tilespmem:$0x150] =	vst v5  }
0x4d: {  	[tilespmem:$0xC0] =	vst v3  }
0x4e: {  	[tilespmem:$0xA0] =	vst v0  }
0x4f: {  	[tilespmem:$0x90] =	vst v1  }
0x50: {  	[tilespmem:s15], [sflag:$0x1] =	stream.indirect.gather [hbm4b:s4+s13], $0x30, s14, s13, $0xb8;
	[tilespmem:$0x1C90] =	vst v63  }
0x51: {  	_ =	swait.ge [sflag:s16], $0x1800  }
0x52: {  	[sflag:s16] =	ssyncset.done $0x0  }
0x53: {  	[sflag:s16] =	ssyncadd.s32 $0xFFFFE800  }
0x54: {  	[spmem:s2] =	stream.indirect.scatter.add.f32 [tilespmem:s15], [sflag:$0x2], $0x30, s17, s13, $0xb8;
	[tilespmem:$0x1C90] =	vst v63  }
0x55: {  	_ =	swait.ge [sflag:s11], $0x1800  }
0x56: {  	[sflag:s11] =	ssyncset.done $0x0  }
0x57: {  	[sflag:s11] =	ssyncadd.s32 $0xFFFFE800  }
0x58: {  	[tilespmem:s12], [sflag:$0x2] =	stream.linear.gather [hbm4b:s21+s3], $0x80, $0x38;
	[tilespmem:$0x1C90] =	vst v63  }
0x59: {  	_ =	swait.ge [sflag:s11], $0x80  }
0x5a: {  	[sflag:s11] =	ssyncset.done $0x0  }
0x5b: {  	[sflag:s11] =	ssyncadd.s32 $0xFFFFFF80  }
0x5c: {  	v0 =	vld [tilespmem:$0x80]  }
0x5d: {  	v1 =	vld [tilespmem:$0x70]  }
0x5e: {  	v2 =	vld [tilespmem:$0x20]  }
0x5f: {  	v3 =	vld [tilespmem:$0x30]  }
0x60: {  	v4 =	vld [tilespmem:$0x10]  }
0x61: {  	v5 =	vld [tilespmem:$0x40];
	v6 =	vand.u32 $0x3FFFF, v0;
	v0 =	vshrl.u32 v0, $0x12  }
0x62: {  	v7 =	vld [tilespmem:$0x50];
	v8 =	vand.u32 $0x3FFFF, v1;
	v9 =	vshrl.u32 v1, $0x12;
	[tilespmem:$0x100] =	vst v6  }
0x63: {  	v10 =	vld [tilespmem:$0x60];
	[tilespmem:$0x180] =	vst v0  }
0x64: {  	v0 =	vand.u32 $0x3FFFF, v2;
	v2 =	vshrl.u32 v2, $0x12;
	v6 =	vand.u32 $0x3FFFF, v3;
	[tilespmem:$0xF0] =	vst v8  }
.Ltmp4:
0x65: {  	v1 =	vand.u32 $0x3FFFF, v4;
	v4 =	vshrl.u32 v4, $0x12;
	[tilespmem:$0xB0] =	vst v6;
	v6 =	vshrl.u32 v3, $0x12;
	(pc) =	sbr.rel @p0 .LBB2_3-.Ltmp4, $4  }
0x66: {  	v3 =	vand.u32 $0x3FFFF, v5;
	v8 =	vshrl.u32 v5, $0x12;
	[tilespmem:$0x170] =	vst v9  }
0x67: {  	[tilespmem:$0x130] =	vst v6;
	v9 =	vand.u32 $0x3FFFF, v7;
	v5 =	vshrl.u32 v7, $0x12  }
0x68: {  	[tilespmem:$0x140] =	vst v8;
	v6 =	vand.u32 $0x3FFFF, v10;
	v7 =	vshrl.u32 v10, $0x12  }
0x69: {  	[tilespmem:$0xD0] =	vst v9  }
.Ltmp5:
0x6a: {  	_ = 	snop;
	(pc) =	sbr.rel .LBB2_4-.Ltmp5, $1  }
0x6b: {  	_ =	sdelay $0x3  }
.LBB2_6:
0x6c: {  	_ =	sfence.sel $0x180000  }
0x6d: {  	[bflag:$0x0] =	sbarrier.arrive $0xFFFF  }
0x6e: {  	p0 =	sne.s32 s0, $0x0;
	_ =	strace $0x9000004D  }
0x6f: {  	s0 =	sadd.s32 @!p0 $0x100000, s1;
	[bflag:$0x2] =	sbarrier.arrive $0xFFFF  }
0x70: {  	[sflag:s0] =	ssyncadd.tile.s32 @!p0 $0x1;
	_ =	shalt  }
.Lfunc_end2:
_tile_overlayer_lowered:
.L_overlay_start_2:
0x71: {  	(tag) =	ssettag $0x2  }
0x72: {  	s0 =	rddreg [dreg:$0x0];
	s2 =	stileid.u32  }
0x73: {  	s1 =	rddreg [dreg:$0x1];
	p0 =	sne.s32 s2, $0x0  }
0x74: {  	s3 =	rddreg [dreg:$0x2];
	[bflag:$0x3] =	sbarrier.arrive $0xFFFF;
	s2 =	simm.s32 @!p0 $0x1C02  }
0x75: {  	[timem:s3], [sflag:s2] =	dma.local @!p0 [hbm:s0], s1  }
0x76: {  	s0 =	simm.s32 @!p0 $0x2  }
0x77: {  	_ =	swait.ge @!p0 [sflag:s0], s1  }
0x78: {  	s1 =	ssub.s32 @!p0 $0x0, s1;
	[sflag:s0] =	ssyncset.done @!p0 $0x0  }
0x79: {  	[sflag:s0] =	ssyncadd.s32 @!p0 s1  }
0x7a: {  	[bflag:$0x3] =	sbarrier.arrive $0xFFFF  }
0x7b: {  	_ =	shalt  }

// kernel: kernel.8.cloned.1.call-start
scs
__scs_entry_jumppad:
0x0: {  	(pc) =	sbr.rel $0x88, $3  }
0x1: {  	(tag) =	ssettag $0x0;
	lr =	simm.s32 $0x1  }
0x2: {  	[smem:$0x3F9A] =	sst lr;
	_ =	strace $0xD0000000  }
0x3: {  	_ = 	snop  }
0x4: {  	_ = 	snop  }
0x5: {  	_ = 	snop  }
0x6: {  	_ = 	snop  }
0x7: {  	_ = 	snop  }
__scs_overlays_trampoline_lowered:
0x8: {  	[smem:$0x3FA9] =	sst s0  }
0x9: {  	[smem:$0x3FAA] =	sst s1  }
0xa: {  	[smem:$0x3FAB] =	sst s2  }
0xb: {  	[smem:$0x3FAC] =	sst s3  }
0xc: {  	[smem:$0x3FAD] =	sst s4  }
0xd: {  	[smem:$0x3FAE] =	sst s5  }
0xe: {  	[smem:$0x3FAF] =	sst s6  }
0xf: {  	[smem:$0x3FB0] =	sst s7  }
0x10: {  	[smem:$0x3FB1] =	sst s8  }
0x11: {  	[smem:$0x3FB2] =	sst s9;
	s0 =	simm.s32 @!p0 $0x0  }
0x12: {  	s1 =	sld [smem:$0x3F98];
	s0 =	simm.s32 @p0 $0x1  }
0x13: {  	[smem:$0x3FB3] =	sst s0;
	s0 =	simm.s32 @!p1 $0x0  }
0x14: {  	s2 =	sld [smem:$0x3F97];
	s0 =	simm.s32 @p1 $0x1  }
0x15: {  	[smem:$0x3FB4] =	sst s0;
	s0 =	simm.s32 @!p2 $0x0  }
0x16: {  	s3 =	sld [smem:$0x3FDB];
	s0 =	simm.s32 @p2 $0x1  }
0x17: {  	s4 =	simm.s32 $0x1BF5;
	[smem:$0x3FB6] =	sst s0  }
0x18: {  	s0 =	sld [smem:$0x3F99];
	_ =	swait.ge [sflag:s4], $0x0  }
0x19: {  	s7 =	sld [smem:$0x3F9A]  }
0x1a: {  	s8 =	sadd.s32 $0xFFFFE003, lr  }
0x1b: {  	s9 =	sadd.s32 $0xFFFFFEF7, lr;
	s5 =	simm.s32 $0xFFFFFFFF;
	p2 =	slt.u32 s8, $0xFFFFF086  }
0x1c: {  	p1 =	slt.u32 s9, $0xF7A;
	s5 =	simm.s32 @!p2 $0x0  }
0x1d: {  	s5 =	simm.s32 @p1 $0x1;
	p0 =	seq.s32 s7, s2  }
0x1e: {  	s7 =	smul.u32 @!p0 $0xF7A, s2;
	p2 =	seq.s32 @!p0 s5, $0x0  }
0x1f: {  	s9 =	smul.u32 $0xF7A, s1;
	s8 =	simm.s32 @!p0 $0x1BF5;
	p2 =	por !p2, p0  }
0x20: {  	[sflag:s8] =	ssyncset.s32 @!p0 $0xFFFFF086;
	s6 =	sadd.s32 @!p0 s3, s7;
	s7 =	simm.s32 @!p0 $0x108  }
0x21: {  	s3 =	sadd.s32 s3, s9;
	s6 =	sadd.s32 @!p0 $0x88, s6;
	s7 =	simm.s32 @p2 $0x1082  }
0x22: {  	[simem:s7], [sflag:s8] =	dma.local @!p0 [hbm:s6], $0xF7A  }
0x23: {  	s9 =	sor.u32 $0xD0000000, s2;
	s6 =	simm.s32 $0x108;
	_ =	swait.ge @!p0 [sflag:s8], $0x0  }
0x24: {  	s3 =	sadd.s32 $0x88, s3;
	s6 =	simm.s32 @!p1 $0x1082;
	[sflag:s4] =	ssyncset.s32 $0xFFFFF086  }
0x25: {  	[simem:s6], [sflag:s4] =	dma.local [hbm:s3], $0xF7A  }
0x26: {  	[smem:$0x3F9A] =	sst s1;
	(tag) =	ssettag s2;
	_ =	strace s9  }
0x27: {  	s1 =	sld [smem:$0x3FAA]  }
0x28: {  	s2 =	sld [smem:$0x3FAB]  }
0x29: {  	s4 =	sld [smem:$0x3FAD]  }
0x2a: {  	p0 =	seq.s32 s5, $0x0;
	s5 =	sld [smem:$0x3FAE]  }
0x2b: {  	s6 =	sld [smem:$0x3FAF]  }
0x2c: {  	s7 =	sld [smem:$0x3FB0]  }
0x2d: {  	s3 =	simm.s32 $0x108;
	s8 =	sld [smem:$0x3FB1]  }
0x2e: {  	s3 =	simm.s32 @!p0 $0x1082;
	s9 =	sld [smem:$0x3FB2]  }
0x2f: {  	lr =	sadd.s32 s0, s3;
	s0 =	sld [smem:$0x3FA9]  }
0x30: {  	s3 =	sld [smem:$0x3FAC]  }
0x31: {  	[smem:$0x3FB5] =	sst s10  }
0x32: {  	s10 =	sld [smem:$0x3FB3];
	_ =	sdelay $0x3  }
0x33: {  	p0 =	seq.s32 s10, $0x1;
	s10 =	sld [smem:$0x3FB5];
	_ =	sdelay $0x3  }
0x34: {  	[smem:$0x3FB5] =	sst s10  }
0x35: {  	s10 =	sld [smem:$0x3FB4];
	_ =	sdelay $0x3  }
0x36: {  	p1 =	seq.s32 s10, $0x1;
	s10 =	sld [smem:$0x3FB5];
	_ =	sdelay $0x3  }
0x37: {  	[smem:$0x3FB5] =	sst s10  }
0x38: {  	s10 =	sld [smem:$0x3FB6]  }
0x39: {  	_ = 	snop;
	(pc) =	sbr.ind lr, $3  }
0x3a: {  	_ = 	snop  }
0x3b: {  	_ = 	snop  }
0x3c: {  	p2 =	seq.s32 s10, $0x1;
	s10 =	sld [smem:$0x3FB5]  }
0x3d: {  	_ =	shalt  }
0x3e: {  	_ =	shalt  }
0x3f: {  	_ =	shalt  }
0x40: {  	_ =	shalt  }
0x41: {  	_ =	shalt  }
0x42: {  	_ =	shalt  }
0x43: {  	_ =	shalt  }
0x44: {  	_ =	shalt  }
0x45: {  	_ =	shalt  }
0x46: {  	_ =	shalt  }
0x47: {  	_ =	shalt  }
0x48: {  	_ =	shalt  }
0x49: {  	_ =	shalt  }
0x4a: {  	_ =	shalt  }
0x4b: {  	_ =	shalt  }
0x4c: {  	_ =	shalt  }
0x4d: {  	_ =	shalt  }
0x4e: {  	_ =	shalt  }
0x4f: {  	_ =	shalt  }
0x50: {  	_ =	shalt  }
0x51: {  	_ =	shalt  }
0x52: {  	_ =	shalt  }
0x53: {  	_ =	shalt  }
0x54: {  	_ =	shalt  }
0x55: {  	_ =	shalt  }
0x56: {  	_ =	shalt  }
0x57: {  	_ =	shalt  }
0x58: {  	_ =	shalt  }
0x59: {  	_ =	shalt  }
0x5a: {  	_ =	shalt  }
0x5b: {  	_ =	shalt  }
0x5c: {  	_ =	shalt  }
0x5d: {  	_ =	shalt  }
0x5e: {  	_ =	shalt  }
0x5f: {  	_ =	shalt  }
0x60: {  	_ =	shalt  }
0x61: {  	_ =	shalt  }
0x62: {  	_ =	shalt  }
0x63: {  	_ =	shalt  }
0x64: {  	_ =	shalt  }
0x65: {  	_ =	shalt  }
0x66: {  	_ =	shalt  }
0x67: {  	_ =	shalt  }
0x68: {  	_ =	shalt  }
0x69: {  	_ =	shalt  }
0x6a: {  	_ =	shalt  }
0x6b: {  	_ =	shalt  }
0x6c: {  	_ =	shalt  }
0x6d: {  	_ =	shalt  }
0x6e: {  	_ =	shalt  }
0x6f: {  	_ =	shalt  }
0x70: {  	_ =	shalt  }
0x71: {  	_ =	shalt  }
0x72: {  	_ =	shalt  }
0x73: {  	_ =	shalt  }
0x74: {  	_ =	shalt  }
0x75: {  	_ =	shalt  }
0x76: {  	_ =	shalt  }
0x77: {  	_ =	shalt  }
0x78: {  	_ =	shalt  }
0x79: {  	_ =	shalt  }
0x7a: {  	_ =	shalt  }
0x7b: {  	_ =	shalt  }
0x7c: {  	_ =	shalt  }
0x7d: {  	_ =	shalt  }
0x7e: {  	_ =	shalt  }
0x7f: {  	_ =	shalt  }
0x80: {  	_ =	shalt  }
0x81: {  	_ =	shalt  }
0x82: {  	_ =	shalt  }
0x83: {  	_ =	shalt  }
0x84: {  	_ =	shalt  }
0x85: {  	_ =	shalt  }
0x86: {  	_ =	shalt  }
0x87: {  	_ =	shalt  }
.Lfunc_end0:
.L_simem_size_0:
called_computation_lowered:
.L_overlay_start_0:
0x88: {  	s2 =	sld [smem:$0x3FD9]  }
0x89: {  	s3 =	sld [smem:$0x3FFE];
	_ =	sdelay $0x1  }
0x8a: {  	s1 =	srdreg.scid  }
0x8b: {  	s0 =	sand.u32 $0x1, s1  }
0x8c: {  	s17 =	sshll.u32 s0, $0xA;
	s2 =	sadd.s32 s3, s2  }
0x8d: {  	s2 =	sadd.s32 s2, s17  }
0x8e: {  	[smem:$0x3FC1] =	sst s2  }
0x8f: {  	_ = 	snop  }
0x90: {  	s2 =	sld [smem:$0x3FD0];
	(tm) =	ssettm $0x1  }
0x91: {  	s18 =	sld [smem:$0x3FFB];
	_ =	sdelay $0x3  }
0x92: {  	_ =	strace s18  }
0x93: {  	s3 =	sld [smem:$0x3FFC];
	_ =	sdelay $0x3  }
0x94: {  	_ =	strace s3  }
0x95: {  	s3 =	sld [smem:$0x3FFD];
	_ =	sdelay $0x3  }
0x96: {  	_ =	strace s3  }
0x97: {  	_ =	strace $0x8FFFFFFF  }
0x98: {  	s19 =	sld [smem:$0x3FDB];
	_ =	sdelay $0x1  }
0x99: {  	s4 =	simm.s32 $_scs_section_size  }
0x9a: {  	s5 =	simm.s32 $_size__tile_overlayer_lowered;
	s6 =	simm.s32 $_tile_overlayer_lowered  }
0x9b: {  	s22 =	simm.s32 $0x1BFF;
	s21 =	sshll.u32 s6, $0x1;
	s3 =	sadd.s32 s4, s19  }
0x9c: {  	s7 =	simm.s32 $0x0;
	s20 =	sshll.u32 s5, $0x1;
	s5 =	sadd.s32 s21, s3  }
0x9d: {  	[timem:s7], [sflag:s22] =	dma.local [hbm:s5], s20  }
0x9e: {  	_ =	swait.ge [sflag:s22], s20  }
0x9f: {  	s4 =	ssub.s32 $0x0, s20;
	[sflag:s22] =	ssyncset.done $0x0  }
0xa0: {  	[sflag:s22] =	ssyncadd.s32 s4;
	_ =	sdelay $0x1  }
0xa1: {  	s23 =	simm.s32 $0x1B8B  }
0xa2: {  	_ =	swait.ge [sflag:s23], $0x1  }
0xa3: {  	[sflag:s23] =	ssyncset.done $0x0  }
0xa4: {  	s25 =	simm.s32 $0x1B8E;
	s24 =	sld [smem:$0x3FFE];
	[sflag:s23] =	ssyncadd.s32 $0xFFFFFFFF  }
0xa5: {  	s26 =	simm.s32 $execute0_lowered;
	[smem:$0x3FD2] =	sst s25  }
0xa6: {  	s5 =	sshll.u32 s26, $0x1;
	_ =	strace $0x80000046;
	[dreg:$0x1] =	wrdreg $0xFFFFFFFF  }
0xa7: {  	s28 =	simm.s32 $_size_execute0_lowered;
	s3 =	sadd.s32 s3, s5;
	[dreg:$0x0] =	wrdreg $0x0  }
0xa8: {  	s5 =	sshll.u32 s28, $0x1;
	[dreg:$0x2] =	wrdreg s3  }
0xa9: {  	[dreg:$0x3] =	wrdreg s5  }
0xaa: {  	[dreg:$0x4] =	wrdreg $0xC0  }
0xab: {  	_ =	task [dreg:s7], $0x5FFFF  }
0xac: {  	[dreg:$0x1] =	wrdreg $0xFFFFFFFF  }
0xad: {  	[dreg:$0x0] =	wrdreg $0x60  }
0xae: {  	[dreg:$0x2] =	wrdreg s24  }
0xaf: {  	[dreg:$0x3] =	wrdreg s2  }
0xb0: {  	[dreg:$0x4] =	wrdreg $0xCC100  }
0xb1: {  	[dreg:$0x5] =	wrdreg $0x9  }
0xb2: {  	_ =	task.clear_ibuf [dreg:s7], $0x6FFFF;
	_ =	strace $0x90000046  }
0xb3: {  	s29 =	simm.s32 $0x9;
	_ =	strace $0x80000048  }
0xb4: {  	_ =	swait.ge [sflag:s29], $0x1  }
0xb5: {  	[sflag:s29] =	ssyncadd.s32 $0xFFFFFFFF  }
0xb6: {  	_ =	strace $0x90000048  }
0xb7: {  	_ =	sfence  }
0xb8: {  	s30 =	sld [smem:$0x0];
	_ =	sdelay $0x2  }
0xb9: {  	s31 =	sshll.u32 s1, $0xD;
	s1 =	sshrl.u32 s1, $0x2  }
0xba: {  	s3 =	sand.u32 $0x4000, s31;
	s1 =	sadd.s32 s1, s30  }
0xbb: {  	s0 =	sor.u32 s3, s0;
	s1 =	sshll.u32 s1, $0x11  }
0xbc: {  	s0 =	sor.u32 s1, s0  }
0xbd: {  	s0 =	sadd.s32 $0x8F2B, s0  }
0xbe: {  	[sflag:s0] =	ssyncadd.remote.s32 $0x1  }
0xbf: {  	_ =	sfence.sel $0xFFFF  }
0xc0: {  	[dreg:$0x0] =	wrdreg $0xFFFFFFFF;
	(pc) =	sbr.abs _section_cstart, $3  }
0xc1: {  	[dreg:$0x1] =	wrdreg $0xFFFFFFFF  }
0xc2: {  	_ =	task.clear_ibuf [dreg:s7], $0x2FFFF;
	_ =	strace $0x9FFFFFFF  }
0xc3: {  	(tm) =	ssettm $0x7FFFFFFF  }
tec
execute0_lowered:
.L_overlay_start_1:
0x0: {  	(tag) =	ssettag $0x1  }
0x1: {  	s5 =	rddreg [dreg:$0x0]  }
0x2: {  	s1 =	srdreg.scid;
	s2 =	rddreg [dreg:$0x1]  }
0x3: {  	s0 =	stileid.u32;
	s10 =	rddreg [dreg:$0x2];
	s3 =	simm.s32 $0x0  }
0x4: {  	s15 =	simm.s32 $0x4F00;
	s16 =	simm.s32 $0x9F00;
	s17 =	simm.s32 $0xC710  }
0x5: {  	s18 =	simm.s32 $0xC990;
	s6 =	sand.u32 $0x1, s1;
	s31 =	smul.u32 $0xA000, s0  }
0x6: {  	s28 =	sshll.u32 s0, $0x1;
	s1 =	rddreg [dreg:$0x3];
	s14 =	smul.u32 $0x280, s0  }
0x7: {  	[smem:$0x7FF] =	sst s3;
	s7 =	sor.u32 s6, s28;
	s8 =	smul.u32 $0x500, s6  }
0x8: {  	_ =	strace $0x80000047;
	s6 =	ssub.s32 $0x2, s6;
	s4 =	smul.u32 $0x4F0, s7  }
0x9: {  	s9 =	smul.u32 $0x500, s7;
	s7 =	sshll.u32 s7, $0x1;
	s30 =	sshrl.u32 s6, $0x1  }
0xa: {  	s20 =	sshrl.u32 s14, $0x3;
	s12 =	sadd.s32 s8, s5;
	s7 =	sadd.s32 s7, s5  }
0xb: {  	s13 =	ssub.s32 s6, s30;
	s11 =	sadd.s32 s4, s5;
	s4 =	sadd.s32 $0x15C00, s5  }
0xc: {  	s29 =	sadd.s32 s9, s5;
	s7 =	sadd.s32 $0x20C00, s7;
	s9 =	sshrl.u32 s31, $0x2  }
0xd: {  	s19 =	sadd.s32 $0x16200, s12;
	s12 =	simm.s32 $0x9F10;
	s5 =	sadd.s32 $0x2000, s11  }
0xe: {  	s6 =	sadd.s32 $0xBE00, s11;
	s8 =	sadd.s32 $0x16C00, s29;
	s9 =	sadd.s32 s9, s10  }
0xf: {  	s10 =	sadd.s32 s14, s10;
	s11 =	smax.u32 s13, $0x1;
	s13 =	simm.s32 $0x1  }
0x10: {  	v0 =	vimm.f32 $1.000000000e+00;
	v1 =	vimm.s32 $0x3E82710;
	s14 =	simm.s32 $0x2780;
	s19 =	sadd.s32 s20, s19;
	s20 =	simm.s32 $0x0  }
.LBB2_1:
0x11: {  	[tilespmem:s12], [sflag:$0x1] =	stream.linear.gather [hbm4b:s4+s3], $0x2800, $0x38;
	[tilespmem:$0xF410] =	vst v63  }
0x12: {  	_ =	swait.ge [sflag:s13], $0x2800  }
0x13: {  	[sflag:s13] =	ssyncset.done $0x0  }
0x14: {  	[sflag:s13] =	ssyncadd.s32 $0xFFFFD800  }
0x15: {  	[tilespmem:s3], [sflag:$0x1] =	stream.linear.gather [hbm4b:s5+s3], $0x2780, $0x38;
	[tilespmem:$0xF410] =	vst v63  }
0x16: {  	_ =	swait.ge [sflag:s13], $0x2780  }
0x17: {  	[sflag:s13] =	ssyncset.done $0x0  }
0x18: {  	[sflag:s13] =	ssyncadd.s32 $0xFFFFD880  }
0x19: {  	[tilespmem:s14], [sflag:$0x1] =	stream.linear.gather [hbm4b:s6+s3], $0x2780, $0x38;
	[tilespmem:$0xF410] =	vst v63  }
0x1a: {  	_ =	swait.ge [sflag:s13], $0x2780  }
0x1b: {  	[sflag:s13] =	ssyncset.done $0x0  }
0x1c: {  	[sflag:s13] =	ssyncadd.s32 $0xFFFFD880  }
0x1d: {  	[tilespmem:s15], [sflag:$0x1] =	stream.linear.gather [hbm4b:s2+s3], $0x2800, $0x38;
	[tilespmem:$0xF410] =	vst v63  }
0x1e: {  	_ =	swait.ge [sflag:s13], $0x2800  }
0x1f: {  	[sflag:s13] =	ssyncset.done $0x0  }
0x20: {  	s21 =	simm.s32 $0x0;
	[sflag:s13] =	ssyncadd.s32 $0xFFFFD800  }
0x21: {  	v2 =	vld [tilespmem:s21+$0x2780];
	_ =	sdelay $0x6  }
0x22: {  	v3 =	vld [tilespmem:s21+$0x0]  }
0x23: {  	[tilespmem:v2+s12+$0x0] =	vst.idx.add.f32.msk $0xffff, v0  }
0x24: {  	v2 =	vld.idx.msk [tilespmem:v2+s15+$0x0], $0xffff;
	_ =	sdelay $0x4  }
0x25: {  	vm0 =	vgt.s32 v2, $0xFFFFFFFF  }
0x26: {  	v2 =	vshll.u32 v2, $0x12;
	v4 =	vmpcnt.ones.xlane vm0  }
0x27: {  	v2 =	vor.u32 v3, v2  }
0x28: {  	s31 =	simm.s32 $0x10;
	[tilespmem:s3+$0x7700] =	vst.msk vm0, v2;
	(v2sf) =	vpush v4, $0x0  }
0x29: {  	v3 =	vld [tilespmem:s31+$0x2780];
	_ =	sdelay $0x6  }
0x2a: {  	v2 =	vld [tilespmem:s31+$0x0]  }
0x2b: {  	[tilespmem:v3+s12+$0x0] =	vst.idx.add.f32.msk $0xffff, v0  }
0x2c: {  	v3 =	vld.idx.msk [tilespmem:v3+s15+$0x0], $0xffff;
	_ =	sdelay $0x4  }
0x2d: {  	s22 =	simm.s32 $0x80;
	s21 =	simm.s32 $0x0;
	vm0 =	vgt.s32 v3, $0xFFFFFFFF;
	v3 =	vshll.u32 v3, $0x12;
	s23 =	spop (v2sf)  }
.LBB2_2:
0x2e: {  	p0 =	sne.s32 s22, $0x9DC0  }
0x2f: {  	v2 =	vor.u32 v2, v3;
	v3 =	vmpcnt.ones.xlane vm0;
	s21 =	sadd.s32 s21, s23;
	s23 =	smov.u32 s22;
	s22 =	sadd.s32 $0x40, s22  }
0x30: {  	s23 =	sshra.s32 s23, $0x2;
	[tilespmem:s21+$0x7700] =	vst.msk vm0, v2  }
0x31: {  	v4 =	vld [tilespmem:s23+$0x2780];
	(v2sf) =	vpush v3, $0x0;
	_ =	sdelay $0x6  }
0x32: {  	v2 =	vld [tilespmem:s23+$0x0]  }
0x33: {  	[tilespmem:v4+s12+$0x0] =	vst.idx.add.f32.msk $0xffff, v0  }
0x34: {  	v3 =	vld.idx.msk [tilespmem:v4+s15+$0x0], $0xffff;
	_ =	sdelay $0x1  }
.Ltmp0:
0x35: {  	(pc) =	sbr.rel @p0 .LBB2_2-.Ltmp0, $2  }
0x36: {  	_ =	sdelay $0x2  }
0x37: {  	vm0 =	vgt.s32 v3, $0xFFFFFFFF;
	v3 =	vshll.u32 v3, $0x12;
	s23 =	spop (v2sf)  }
0x38: {  	v4 =	vmpcnt.ones.xlane vm0;
	_ =	sdelay $0x1  }
0x39: {  	(v2sf) =	vpush v4, $0x0;
	_ =	sdelay $0xe  }
0x3a: {  	v2 =	vor.u32 v2, v3;
	s21 =	sadd.s32 s21, s23;
	s22 =	spop (v2sf)  }
0x3b: {  	[tilespmem:s21+$0x7700] =	vst.msk vm0, v2;
	s21 =	sadd.s32 s21, s22  }
0x3c: {  	[tilespmem:s21+$0x7700] =	vst v1  }
0x3d: {  	[tilespmem:s21+$0x7710] =	vst v1  }
0x3e: {  	[tilespmem:s21+$0x7720] =	vst v1  }
0x3f: {  	[tilespmem:s21+$0x7730] =	vst v1  }
0x40: {  	[tilespmem:s21+$0x7740] =	vst v1  }
0x41: {  	[tilespmem:s21+$0x7750] =	vst v1  }
0x42: {  	[tilespmem:s21+$0x7760] =	vst v1  }
0x43: {  	[tilespmem:s21+$0x7770] =	vst v1;
	v2 =	vmov s21;
	s21 =	sadd.s32 $0x7F, s21  }
0x44: {  	p0 =	slt.s32 s21, $0x80  }
.Ltmp1:
0x45: {  	[tilespmem:$0x9F00] =	vst v2;
	(pc) =	sbr.rel @p0 .LBB2_7-.Ltmp1, $4  }
0x46: {  	[hbm4b:s7+s3] =	stream.linear.scatter [tilespmem:s16], [sflag:$0x1], $0x10, $0x38;
	[tilespmem:$0xF410] =	vst v63  }
0x47: {  	_ =	swait.ge [sflag:s13], $0x10  }
0x48: {  	[sflag:s13] =	ssyncset.done $0x0  }
0x49: {  	[sflag:s13] =	ssyncadd.s32 $0xFFFFFFF0  }
0x4a: {  	s22 =	sshra.s32 s21, $0x1F  }
0x4b: {  	s22 =	sshrl.u32 s22, $0x19  }
0x4c: {  	s31 =	sadd.s32 s22, s21  }
0x4d: {  	s22 =	sshra.s32 s31, $0x7  }
0x4e: {  	p0 =	sne.s32 s22, $0x1  }
.Ltmp2:
0x4f: {  	_ = 	snop;
	(pc) =	sbr.rel @!p0 .LBB2_6-.Ltmp2, $4  }
0x50: {  	_ = 	snop  }
0x51: {  	s23 =	sadd.s32 $0x0, s8;
	s21 =	simm.s32 $0x7700  }
0x52: {  	[hbm4b:s23+s3] =	stream.linear.scatter [tilespmem:s21], [sflag:$0x1], $0x80, $0x38;
	[tilespmem:$0xF410] =	vst v63  }
0x53: {  	s23 =	simm.s32 $0x80;
	s22 =	sadd.s32 $0xFFFFFFFF, s22;
	_ =	swait.ge [sflag:s13], $0x80  }
.LBB2_5:
0x54: {  	s24 =	sshrl.u32 s23, $0x3  }
0x55: {  	[sflag:s13] =	ssyncset.done $0x0;
	s21 =	sadd.s32 $0x80, s21;
	p0 =	sne.s32 s22, $0x1  }
.Ltmp3:
0x56: {  	s24 =	sadd.s32 s24, s8;
	[sflag:s13] =	ssyncadd.s32 $0xFFFFFF80;
	(pc) =	sbr.rel @p0 .LBB2_5-.Ltmp3, $3  }
0x57: {  	[hbm4b:s24+s3] =	stream.linear.scatter [tilespmem:s21], [sflag:$0x1], $0x80, $0x38;
	[tilespmem:$0xF410] =	vst v63  }
0x58: {  	s22 =	sadd.s32 $0xFFFFFFFF, s22;
	_ =	sdelay $0x1  }
0x59: {  	s23 =	sadd.s32 $0x80, s23;
	_ =	swait.ge [sflag:s13], $0x80  }
.LBB2_6:
0x5a: {  	[sflag:s13] =	ssyncset.done $0x0  }
0x5b: {  	[sflag:s13] =	ssyncadd.s32 $0xFFFFFF80  }
.LBB2_7:
0x5c: {  	[spmem:s9] =	stream.linear.scatter [tilespmem:s12], [sflag:$0x1], $0x2800, $0x38;
	[tilespmem:$0xF410] =	vst v63  }
0x5d: {  	s21 =	simm.s32 $0x1  }
0x5e: {  	_ =	swait.ge [sflag:s21], $0x2800  }
0x5f: {  	[sflag:s21] =	ssyncset.done $0x0  }
0x60: {  	[sflag:s21] =	ssyncadd.s32 $0xFFFFD800  }
0x61: {  	[bflag:$0x0] =	sbarrier.arrive $0xFFFF  }
0x62: {  	[tilespmem:s17], [sflag:$0x1] =	stream.linear.gather [spmem:s10], $0x280, $0x38;
	[tilespmem:$0xF410] =	vst v63  }
0x63: {  	_ =	swait.ge [sflag:s21], $0x280  }
0x64: {  	[sflag:s21] =	ssyncset.done $0x0  }
0x65: {  	[sflag:s21] =	ssyncadd.s32 $0xFFFFFD80  }
.LBB2_8:
0x66: {  	s22 =	smul.u32 $0xA000, s21;
	_ =	sdelay $0x1  }
0x67: {  	s22 =	sshra.s32 s22, $0x2  }
0x68: {  	s22 =	sadd.s32 s22, s10  }
0x69: {  	[tilespmem:s18], [sflag:$0x1] =	stream.linear.gather [spmem:s22], $0x280, $0x38;
	[tilespmem:$0xF410] =	vst v63  }
0x6a: {  	_ =	swait.ge [sflag:s13], $0x280  }
0x6b: {  	[sflag:s13] =	ssyncset.done $0x0  }
0x6c: {  	s22 =	simm.s32 $0x0;
	[sflag:s13] =	ssyncadd.s32 $0xFFFFFD80  }
0x6d: {  	s23 =	simm.s32 $0x40;
	v2 =	vld [tilespmem:s22+$0xC990]  }
.LBB2_9:
0x6e: {  	p0 =	sne.s32 s23, $0x9C0;
	v3 =	vld [tilespmem:s22+$0xC710];
	_ =	sdelay $0x2  }
.Ltmp4:
0x6f: {  	(pc) =	sbr.rel @p0 .LBB2_9-.Ltmp4, $4  }
0x70: {  	_ = 	snop  }
0x71: {  	v3 =	vadd.f32 v2, v3  }
0x72: {  	s24 =	sshra.s32 s23, $0x2  }
0x73: {  	s23 =	sadd.s32 $0x40, s23;
	v2 =	vld [tilespmem:s24+$0xC990];
	[tilespmem:s22+$0xC710] =	vst v3;
	s22 =	smov.u32 s24  }
0x74: {  	v3 =	vld [tilespmem:s22+$0xC710]  }
0x75: {  	s21 =	sadd.s32 $0x1, s21  }
0x76: {  	p0 =	sne.s32 s21, $0x10  }
.Ltmp5:
0x77: {  	_ = 	snop;
	(pc) =	sbr.rel @p0 .LBB2_8-.Ltmp5, $3  }
0x78: {  	_ = 	snop  }
0x79: {  	v2 =	vadd.f32 v2, v3;
	_ =	sdelay $0x1  }
0x7a: {  	[tilespmem:s22+$0xC710] =	vst v2  }
0x7b: {  	s20 =	sadd.s32 $0x1, s20  }
0x7c: {  	p0 =	sne.s32 s20, s11  }
.Ltmp6:
0x7d: {  	_ = 	snop;
	(pc) =	sbr.rel @p0 .LBB2_1-.Ltmp6, $4  }
0x7e: {  	[hbm4b:s19+s3] =	stream.linear.scatter [tilespmem:s17], [sflag:$0x1], $0x280, $0x38;
	[tilespmem:$0xF410] =	vst v63  }
0x7f: {  	_ =	swait.ge [sflag:s13], $0x280  }
0x80: {  	[sflag:s13] =	ssyncset.done $0x0  }
0x81: {  	[sflag:s13] =	ssyncadd.s32 $0xFFFFFD80  }
0x82: {  	_ =	sfence.sel $0x180000  }
0x83: {  	[bflag:$0x0] =	sbarrier.arrive $0xFFFF  }
0x84: {  	p0 =	sne.s32 s0, $0x0;
	_ =	strace $0x90000047  }
0x85: {  	s0 =	sadd.s32 @!p0 $0x100000, s1;
	[bflag:$0x2] =	sbarrier.arrive $0xFFFF  }
0x86: {  	[sflag:s0] =	ssyncadd.tile.s32 @!p0 $0x1;
	_ =	shalt  }
.Lfunc_end2:
_tile_overlayer_lowered:
.L_overlay_start_2:
0x87: {  	(tag) =	ssettag $0x2  }
0x88: {  	s0 =	rddreg [dreg:$0x0];
	s2 =	stileid.u32  }
0x89: {  	s1 =	rddreg [dreg:$0x1];
	p0 =	sne.s32 s2, $0x0  }
0x8a: {  	s3 =	rddreg [dreg:$0x2];
	[bflag:$0x3] =	sbarrier.arrive $0xFFFF;
	s2 =	simm.s32 @!p0 $0x1C01  }
0x8b: {  	[timem:s3], [sflag:s2] =	dma.local @!p0 [hbm:s0], s1  }
0x8c: {  	s0 =	simm.s32 @!p0 $0x1  }
0x8d: {  	_ =	swait.ge @!p0 [sflag:s0], s1  }
0x8e: {  	s1 =	ssub.s32 @!p0 $0x0, s1;
	[sflag:s0] =	ssyncset.done @!p0 $0x0  }
0x8f: {  	[sflag:s0] =	ssyncadd.s32 @!p0 s1  }
0x90: {  	[bflag:$0x3] =	sbarrier.arrive $0xFFFF  }
0x91: {  	_ =	shalt  }

</sc_bundles>
